<compile_context>
chip_gen: v7x
topology: tpu7x:2x2x1
jax: 0.10.2.dev20260603
libtpu: 0.0.44.dev20260713+nightly
codegen_flags: <defaults>
</compile_context>

<pallas_src>
import functools

import jax
import jax.numpy as jnp
from jax import lax
from jax.experimental import pallas as pl
from jax.experimental.pallas import tpu as pltpu
from jax.experimental.pallas import tpu_sc as plsc

_N = 50000
_D_IN = 1280
_D = 256
_NMOL = 512
_INV_SQRT_2 = 0.7071067811865476

_BLOCK = 1024
_NW = 32
_KCH = 13
_CHUNK = _KCH * 128
_NPAD = _NW * _CHUNK
_NACC = _NMOL + 16
_EW = 16


def _s(u):
    return u + u * jnp.tanh(u)


def _dot1(a, w_bf):
    return jax.lax.dot(a.astype(jnp.bfloat16), w_bf,
                       preferred_element_type=jnp.float32)


_NSUB = 2


def _mlp_chain(x, wd, wa1, wb1, wa2, wb2, woa, wob):
    f = jnp.float32
    h1 = _s(_dot1(x, wd))
    y1 = _s(_dot1(_s(_dot1(h1, wa1)), wb1))
    h2b = (h1 + y1).astype(jnp.bfloat16)
    y2 = _s(_dot1(_s(jax.lax.dot(h2b, wa2, preferred_element_type=f)), wb2))
    e16 = (jax.lax.dot(h2b, woa, preferred_element_type=f)
           + _dot1(y2, wob))
    return jnp.sum(e16, axis=1)


def _mlp_body(x_ref, wd, wa1, wb1, wa2, wb2, woa, wob, e_ref):
    sub = _BLOCK // _NSUB
    for i in range(_NSUB):
        rows = pl.ds(i * sub, sub)
        e_ref[rows] = _mlp_chain(x_ref[rows, :], wd[...], wa1[...],
                                 wb1[...], wa2[...], wb2[...],
                                 woa[...], wob[...])


def _atom_energies(xs, w_bfs):
    grid = pl.cdiv(_N, _BLOCK)
    full = lambda i: (0, 0)
    w_specs = [pl.BlockSpec(w.shape, full) for w in w_bfs]
    return pl.pallas_call(
        _mlp_body,
        grid=(grid,),
        in_specs=[pl.BlockSpec((_BLOCK, _D_IN), lambda i: (i, 0))] + w_specs,
        out_specs=pl.BlockSpec((_BLOCK,), lambda i: (i,)),
        out_shape=jax.ShapeDtypeStruct((_NPAD,), jnp.float32),
        compiler_params=pltpu.CompilerParams(
            dimension_semantics=("parallel",),
        ),
    )(xs, *w_bfs)


def _segment_sum_sc(e_pad, b_pad):
    mesh = plsc.VectorSubcoreMesh(core_axis_name="c", subcore_axis_name="s")

    @functools.partial(
        pl.kernel,
        mesh=mesh,
        out_type=jax.ShapeDtypeStruct((2, _NMOL), jnp.float32),
        scratch_types=[
            pltpu.VMEM((_CHUNK,), jnp.float32),
            pltpu.VMEM((_KCH, 128), jnp.int32),
            pltpu.VMEM((_NACC,), jnp.float32),
            pltpu.VMEM_SHARED((_NACC,), jnp.float32),
            pltpu.SemaphoreType.DMA,
        ],
    )
    def seg(e_hbm, b_hbm, out_hbm, e_v, idx_v, stage_v, acc_sh, sem):
        c = lax.axis_index("c")
        s = lax.axis_index("s")
        w = c * 16 + s
        cp_e = pltpu.async_copy(e_hbm.at[pl.ds(w * _CHUNK, _CHUNK)], e_v, sem)
        cp_b = pltpu.async_copy(b_hbm.at[w], idx_v, sem)
        for i in range(_NACC // 16):
            stage_v[pl.ds(i * 16, 16)] = jnp.zeros((16,), jnp.float32)

        @pl.when(s == 0)
        def _():
            pltpu.sync_copy(stage_v, acc_sh)

        cp_e.wait()
        cp_b.wait()
        plsc.subcore_barrier()
        cps = [
            pltpu.async_copy(e_v.at[pl.ds(j * 128, 128)],
                             acc_sh.at[idx_v.at[j]], sem, add=True)
            for j in range(_KCH)
        ]
        for cp in cps:
            cp.wait()
        plsc.subcore_barrier()

        @pl.when(s == 0)
        def _():
            pltpu.sync_copy(acc_sh.at[pl.ds(0, _NMOL)], out_hbm.at[c])

    return seg(e_pad, b_pad)


def kernel(xs_E_cat, batch, W_dense, W_r1a, W_r1b, W_r2a, W_r2b, W_out):
    c = _INV_SQRT_2
    wo_col = W_out.reshape(_D, 1)
    pad_wo = jnp.zeros((_D, _EW - 1), jnp.float32)
    w_bfs = [
        w.astype(jnp.bfloat16)
        for w in (
            W_dense * 0.5,
            W_r1a * 0.5,
            W_r1b * 0.5,
            W_r2a * (c * 0.5),
            W_r2b * 0.5,
            jnp.concatenate([wo_col * (c * c), pad_wo], axis=1),
            jnp.concatenate([wo_col * c, pad_wo], axis=1),
        )
    ]
    e_pad = _atom_energies(xs_E_cat, w_bfs)
    b_pad = jnp.pad(batch.astype(jnp.int32), (0, _NPAD - _N),
                    constant_values=_NMOL).reshape(_NW, _KCH, 128)
    parts = _segment_sum_sc(e_pad, b_pad)
    return parts[0] + parts[1]

# --- scband reference (transcript-rebuilt; emitter-appended) ---
"""Pipeline reference for scband-gem-net-ocenergy-and-grad-force-head-55009941128040 (READ-ONLY COPY).

The authoritative reference and input builder live on the scoring server;
editing this copy changes nothing except your own understanding.
"""

import jax, jax.numpy as jnp
import numpy as np

N = 50000
D_IN = 1280
D = 256
NMOL = 512
INV_SQRT_2 = 0.7071067811865476


def setup_inputs(seed: int = 0) -> dict:
    key = jax.random.key(seed)
    ks = jax.random.split(key, 8)
    xs_E_cat = jax.random.normal(ks[0], (N, D_IN), dtype=jnp.float32)
    batch = jnp.sort(jax.random.randint(ks[1], (N,), 0, NMOL, dtype=jnp.int64))
    s_in = 1.0 / np.sqrt(D_IN)
    s_d = 1.0 / np.sqrt(D)
    W_dense = jax.random.normal(ks[2], (D_IN, D), dtype=jnp.float32) * s_in
    W_r1a = jax.random.normal(ks[3], (D, D), dtype=jnp.float32) * s_d
    W_r1b = jax.random.normal(ks[4], (D, D), dtype=jnp.float32) * s_d
    W_r2a = jax.random.normal(ks[5], (D, D), dtype=jnp.float32) * s_d
    W_r2b = jax.random.normal(ks[6], (D, D), dtype=jnp.float32) * s_d
    W_out = jax.random.normal(ks[7], (D, 1), dtype=jnp.float32) * s_d
    return {
        "xs_E_cat": xs_E_cat,
        "batch": batch,
        "W_dense": W_dense,
        "W_r1a": W_r1a,
        "W_r1b": W_r1b,
        "W_r2a": W_r2a,
        "W_r2b": W_r2b,
        "W_out": W_out,
    }


def reference(xs_E_cat, batch, W_dense, W_r1a, W_r1b, W_r2a, W_r2b, W_out):
    # out_mlp_E: Dense(1280 -> 256, silu, no bias) followed by 2 ResidualLayers
    silu = jax.nn.silu
    h = silu(xs_E_cat @ W_dense)
    # ResidualLayer 1: x -> (x + Dense(Dense(x))) * 1/sqrt(2)
    y = silu(silu(h @ W_r1a) @ W_r1b)
    h = (h + y) * INV_SQRT_2
    # ResidualLayer 2
    y = silu(silu(h @ W_r2a) @ W_r2b)
    h = (h + y) * INV_SQRT_2
    # out_energy: Dense(256 -> 1), bias=False, no activation
    E_t = h @ W_out
    # extensive=True: scatter_add per-atom energies into per-molecule energies
    E_t_agg = jax.ops.segment_sum(E_t, batch, num_segments=NMOL)
    return E_t_agg[:, 0]

if __name__ == "__main__":
    import jax
    _d = setup_inputs()
    print(jax.jit(kernel)(*tuple(_d.values())))

</pallas_src>

<mosaic_0001>
#map = affine_map<(d0, d1) -> (0)>
#map1 = affine_map<(d0, d1) -> (0, 0, 0)>
#map2 = affine_map<(d0, d1) -> (0, 0)>
module attributes {stable_mosaic.version = 14 : i64} {
  func.func @seg(%arg0: i32, %arg1: i32, %arg2: memref<53248xf32, #tpu.memory_space<hbm>>, %arg3: memref<32x13x128xi32, #tpu.memory_space<hbm>>, %arg4: memref<2x512xf32, #tpu.memory_space<hbm>>, %arg5: memref<1664xf32, #tpu.memory_space<vmem>>, %arg6: memref<13x128xi32, #tpu.memory_space<vmem>>, %arg7: memref<528xf32, #tpu.memory_space<vmem>>, %arg8: memref<528xf32, #tpu.memory_space<vmem_shared>>, %arg9: memref<!tpu.dma_semaphore, #tpu.memory_space<semaphore_mem>>) attributes {dimension_semantics = [#tpu.dimension_semantics<core_parallel>, #tpu.dimension_semantics<subcore_parallel>], iteration_bounds = array<i64: 2, 16>, scalar_prefetch = 0 : i64, scratch_operands = 5 : i64, tpu.core_type = #tpu.core_type<sc_vector_subcore>, window_params = [{transform_indices = #map}, {transform_indices = #map1}, {transform_indices = #map2}]} {
    %mul3A = arith.constant 16 : i32
    %mul3A_0 = arith.muli %arg0, %mul3A : i32
    %add3A = arith.addi %mul3A_0, %arg1 : i32
    %mul3A_1 = arith.constant 1664 : i32
    %mul3A_2 = arith.muli %add3A, %mul3A_1 : i32
    %dma_start3A = tpu.memref_slice %arg2[%mul3A_2] : memref<53248xf32, #tpu.memory_space<hbm>> -> memref<1664xf32, #tpu.memory_space<hbm>>
    %dma_start3A_3 = tpu.memref_slice %arg2[%mul3A_2] : memref<53248xf32, #tpu.memory_space<hbm>> -> memref<1664xf32, #tpu.memory_space<hbm>>
    tpu.enqueue_dma source(%dma_start3A_3 : memref<1664xf32, #tpu.memory_space<hbm>>) target(%arg5 : memref<1664xf32, #tpu.memory_space<vmem>>) target_semaphore(%arg9 : memref<!tpu.dma_semaphore, #tpu.memory_space<semaphore_mem>>)
    %dma_start3A_4 = arith.constant 0 : i32
    %dma_start3A_5 = arith.constant 0 : i32
    %dma_start3A_6 = tpu.memref_slice %arg3[%add3A, %dma_start3A_4, %dma_start3A_5] : memref<32x13x128xi32, #tpu.memory_space<hbm>> -> memref<1x13x128xi32, #tpu.memory_space<hbm>>
    %dma_start3A_7 = tpu.memref_squeeze %dma_start3A_6 : memref<1x13x128xi32, #tpu.memory_space<hbm>> -> memref<13x128xi32, #tpu.memory_space<hbm>>
    %dma_start3A_8 = arith.constant 0 : i32
    %dma_start3A_9 = arith.constant 0 : i32
    %dma_start3A_10 = tpu.memref_slice %arg3[%add3A, %dma_start3A_8, %dma_start3A_9] : memref<32x13x128xi32, #tpu.memory_space<hbm>> -> memref<1x13x128xi32, #tpu.memory_space<hbm>>
    %dma_start3A_11 = tpu.memref_squeeze %dma_start3A_10 : memref<1x13x128xi32, #tpu.memory_space<hbm>> -> memref<13x128xi32, #tpu.memory_space<hbm>>
    tpu.enqueue_dma source(%dma_start3A_11 : memref<13x128xi32, #tpu.memory_space<hbm>>) target(%arg6 : memref<13x128xi32, #tpu.memory_space<vmem>>) target_semaphore(%arg9 : memref<!tpu.dma_semaphore, #tpu.memory_space<semaphore_mem>>)
    %broadcast_in_dim3A = arith.constant 0.000000e+00 : f32
    %broadcast_in_dim3A_12 = vector.broadcast %broadcast_in_dim3A : f32 to vector<16xf32>
    %swap3A = arith.constant 0 : index
    %swap3A_13 = tpu.vector_load %arg7[%swap3A] {strides = array<i32>} : memref<528xf32, #tpu.memory_space<vmem>>, vector<16xf32>,
    %swap3A_14 = vector.shape_cast %swap3A_13 : vector<16xf32> to vector<16xf32>
    %swap3A_15 = vector.shape_cast %broadcast_in_dim3A_12 : vector<16xf32> to vector<16xf32>
    tpu.vector_store %arg7[%swap3A], %swap3A_15 {strides = array<i32>} : memref<528xf32, #tpu.memory_space<vmem>>, vector<16xf32>,
    %broadcast_in_dim3A_16 = arith.constant 0.000000e+00 : f32
    %broadcast_in_dim3A_17 = vector.broadcast %broadcast_in_dim3A_16 : f32 to vector<16xf32>
    %swap3A_18 = arith.constant 16 : index
    %swap3A_19 = tpu.vector_load %arg7[%swap3A_18] {strides = array<i32>} : memref<528xf32, #tpu.memory_space<vmem>>, vector<16xf32>,
    %swap3A_20 = vector.shape_cast %swap3A_19 : vector<16xf32> to vector<16xf32>
    %swap3A_21 = vector.shape_cast %broadcast_in_dim3A_17 : vector<16xf32> to vector<16xf32>
    tpu.vector_store %arg7[%swap3A_18], %swap3A_21 {strides = array<i32>} : memref<528xf32, #tpu.memory_space<vmem>>, vector<16xf32>,
    %broadcast_in_dim3A_22 = arith.constant 0.000000e+00 : f32
    %broadcast_in_dim3A_23 = vector.broadcast %broadcast_in_dim3A_22 : f32 to vector<16xf32>
    %swap3A_24 = arith.constant 32 : index
    %swap3A_25 = tpu.vector_load %arg7[%swap3A_24] {strides = array<i32>} : memref<528xf32, #tpu.memory_space<vmem>>, vector<16xf32>,
    %swap3A_26 = vector.shape_cast %swap3A_25 : vector<16xf32> to vector<16xf32>
    %swap3A_27 = vector.shape_cast %broadcast_in_dim3A_23 : vector<16xf32> to vector<16xf32>
    tpu.vector_store %arg7[%swap3A_24], %swap3A_27 {strides = array<i32>} : memref<528xf32, #tpu.memory_space<vmem>>, vector<16xf32>,
    %broadcast_in_dim3A_28 = arith.constant 0.000000e+00 : f32
    %broadcast_in_dim3A_29 = vector.broadcast %broadcast_in_dim3A_28 : f32 to vector<16xf32>
    %swap3A_30 = arith.constant 48 : index
    %swap3A_31 = tpu.vector_load %arg7[%swap3A_30] {strides = array<i32>} : memref<528xf32, #tpu.memory_space<vmem>>, vector<16xf32>,
    %swap3A_32 = vector.shape_cast %swap3A_31 : vector<16xf32> to vector<16xf32>
    %swap3A_33 = vector.shape_cast %broadcast_in_dim3A_29 : vector<16xf32> to vector<16xf32>
    tpu.vector_store %arg7[%swap3A_30], %swap3A_33 {strides = array<i32>} : memref<528xf32, #tpu.memory_space<vmem>>, vector<16xf32>,
    %broadcast_in_dim3A_34 = arith.constant 0.000000e+00 : f32
    %broadcast_in_dim3A_35 = vector.broadcast %broadcast_in_dim3A_34 : f32 to vector<16xf32>
    %swap3A_36 = arith.constant 64 : index
    %swap3A_37 = tpu.vector_load %arg7[%swap3A_36] {strides = array<i32>} : memref<528xf32, #tpu.memory_space<vmem>>, vector<16xf32>,
    %swap3A_38 = vector.shape_cast %swap3A_37 : vector<16xf32> to vector<16xf32>
    %swap3A_39 = vector.shape_cast %broadcast_in_dim3A_35 : vector<16xf32> to vector<16xf32>
    tpu.vector_store %arg7[%swap3A_36], %swap3A_39 {strides = array<i32>} : memref<528xf32, #tpu.memory_space<vmem>>, vector<16xf32>,
    %broadcast_in_dim3A_40 = arith.constant 0.000000e+00 : f32
    %broadcast_in_dim3A_41 = vector.broadcast %broadcast_in_dim3A_40 : f32 to vector<16xf32>
    %swap3A_42 = arith.constant 80 : index
    %swap3A_43 = tpu.vector_load %arg7[%swap3A_42] {strides = array<i32>} : memref<528xf32, #tpu.memory_space<vmem>>, vector<16xf32>,
    %swap3A_44 = vector.shape_cast %swap3A_43 : vector<16xf32> to vector<16xf32>
    %swap3A_45 = vector.shape_cast %broadcast_in_dim3A_41 : vector<16xf32> to vector<16xf32>
    tpu.vector_store %arg7[%swap3A_42], %swap3A_45 {strides = array<i32>} : memref<528xf32, #tpu.memory_space<vmem>>, vector<16xf32>,
    %broadcast_in_dim3A_46 = arith.constant 0.000000e+00 : f32
    %broadcast_in_dim3A_47 = vector.broadcast %broadcast_in_dim3A_46 : f32 to vector<16xf32>
    %swap3A_48 = arith.constant 96 : index
    %swap3A_49 = tpu.vector_load %arg7[%swap3A_48] {strides = array<i32>} : memref<528xf32, #tpu.memory_space<vmem>>, vector<16xf32>,
    %swap3A_50 = vector.shape_cast %swap3A_49 : vector<16xf32> to vector<16xf32>
    %swap3A_51 = vector.shape_cast %broadcast_in_dim3A_47 : vector<16xf32> to vector<16xf32>
    tpu.vector_store %arg7[%swap3A_48], %swap3A_51 {strides = array<i32>} : memref<528xf32, #tpu.memory_space<vmem>>, vector<16xf32>,
    %broadcast_in_dim3A_52 = arith.constant 0.000000e+00 : f32
    %broadcast_in_dim3A_53 = vector.broadcast %broadcast_in_dim3A_52 : f32 to vector<16xf32>
    %swap3A_54 = arith.constant 112 : index
    %swap3A_55 = tpu.vector_load %arg7[%swap3A_54] {strides = array<i32>} : memref<528xf32, #tpu.memory_space<vmem>>, vector<16xf32>,
    %swap3A_56 = vector.shape_cast %swap3A_55 : vector<16xf32> to vector<16xf32>
    %swap3A_57 = vector.shape_cast %broadcast_in_dim3A_53 : vector<16xf32> to vector<16xf32>
    tpu.vector_store %arg7[%swap3A_54], %swap3A_57 {strides = array<i32>} : memref<528xf32, #tpu.memory_space<vmem>>, vector<16xf32>,
    %broadcast_in_dim3A_58 = arith.constant 0.000000e+00 : f32
    %broadcast_in_dim3A_59 = vector.broadcast %broadcast_in_dim3A_58 : f32 to vector<16xf32>
    %swap3A_60 = arith.constant 128 : index
    %swap3A_61 = tpu.vector_load %arg7[%swap3A_60] {strides = array<i32>} : memref<528xf32, #tpu.memory_space<vmem>>, vector<16xf32>,
    %swap3A_62 = vector.shape_cast %swap3A_61 : vector<16xf32> to vector<16xf32>
    %swap3A_63 = vector.shape_cast %broadcast_in_dim3A_59 : vector<16xf32> to vector<16xf32>
    tpu.vector_store %arg7[%swap3A_60], %swap3A_63 {strides = array<i32>} : memref<528xf32, #tpu.memory_space<vmem>>, vector<16xf32>,
    %broadcast_in_dim3A_64 = arith.constant 0.000000e+00 : f32
    %broadcast_in_dim3A_65 = vector.broadcast %broadcast_in_dim3A_64 : f32 to vector<16xf32>
    %swap3A_66 = arith.constant 144 : index
    %swap3A_67 = tpu.vector_load %arg7[%swap3A_66] {strides = array<i32>} : memref<528xf32, #tpu.memory_space<vmem>>, vector<16xf32>,
    %swap3A_68 = vector.shape_cast %swap3A_67 : vector<16xf32> to vector<16xf32>
    %swap3A_69 = vector.shape_cast %broadcast_in_dim3A_65 : vector<16xf32> to vector<16xf32>
    tpu.vector_store %arg7[%swap3A_66], %swap3A_69 {strides = array<i32>} : memref<528xf32, #tpu.memory_space<vmem>>, vector<16xf32>,
    %broadcast_in_dim3A_70 = arith.constant 0.000000e+00 : f32
    %broadcast_in_dim3A_71 = vector.broadcast %broadcast_in_dim3A_70 : f32 to vector<16xf32>
    %swap3A_72 = arith.constant 160 : index
    %swap3A_73 = tpu.vector_load %arg7[%swap3A_72] {strides = array<i32>} : memref<528xf32, #tpu.memory_space<vmem>>, vector<16xf32>,
    %swap3A_74 = vector.shape_cast %swap3A_73 : vector<16xf32> to vector<16xf32>
    %swap3A_75 = vector.shape_cast %broadcast_in_dim3A_71 : vector<16xf32> to vector<16xf32>
    tpu.vector_store %arg7[%swap3A_72], %swap3A_75 {strides = array<i32>} : memref<528xf32, #tpu.memory_space<vmem>>, vector<16xf32>,
    %broadcast_in_dim3A_76 = arith.constant 0.000000e+00 : f32
    %broadcast_in_dim3A_77 = vector.broadcast %broadcast_in_dim3A_76 : f32 to vector<16xf32>
    %swap3A_78 = arith.constant 176 : index
    %swap3A_79 = tpu.vector_load %arg7[%swap3A_78] {strides = array<i32>} : memref<528xf32, #tpu.memory_space<vmem>>, vector<16xf32>,
    %swap3A_80 = vector.shape_cast %swap3A_79 : vector<16xf32> to vector<16xf32>
    %swap3A_81 = vector.shape_cast %broadcast_in_dim3A_77 : vector<16xf32> to vector<16xf32>
    tpu.vector_store %arg7[%swap3A_78], %swap3A_81 {strides = array<i32>} : memref<528xf32, #tpu.memory_space<vmem>>, vector<16xf32>,
    %broadcast_in_dim3A_82 = arith.constant 0.000000e+00 : f32
    %broadcast_in_dim3A_83 = vector.broadcast %broadcast_in_dim3A_82 : f32 to vector<16xf32>
    %swap3A_84 = arith.constant 192 : index
    %swap3A_85 = tpu.vector_load %arg7[%swap3A_84] {strides = array<i32>} : memref<528xf32, #tpu.memory_space<vmem>>, vector<16xf32>,
    %swap3A_86 = vector.shape_cast %swap3A_85 : vector<16xf32> to vector<16xf32>
    %swap3A_87 = vector.shape_cast %broadcast_in_dim3A_83 : vector<16xf32> to vector<16xf32>
    tpu.vector_store %arg7[%swap3A_84], %swap3A_87 {strides = array<i32>} : memref<528xf32, #tpu.memory_space<vmem>>, vector<16xf32>,
    %broadcast_in_dim3A_88 = arith.constant 0.000000e+00 : f32
    %broadcast_in_dim3A_89 = vector.broadcast %broadcast_in_dim3A_88 : f32 to vector<16xf32>
    %swap3A_90 = arith.constant 208 : index
    %swap3A_91 = tpu.vector_load %arg7[%swap3A_90] {strides = array<i32>} : memref<528xf32, #tpu.memory_space<vmem>>, vector<16xf32>,
    %swap3A_92 = vector.shape_cast %swap3A_91 : vector<16xf32> to vector<16xf32>
    %swap3A_93 = vector.shape_cast %broadcast_in_dim3A_89 : vector<16xf32> to vector<16xf32>
    tpu.vector_store %arg7[%swap3A_90], %swap3A_93 {strides = array<i32>} : memref<528xf32, #tpu.memory_space<vmem>>, vector<16xf32>,
    %broadcast_in_dim3A_94 = arith.constant 0.000000e+00 : f32
    %broadcast_in_dim3A_95 = vector.broadcast %broadcast_in_dim3A_94 : f32 to vector<16xf32>
    %swap3A_96 = arith.constant 224 : index
    %swap3A_97 = tpu.vector_load %arg7[%swap3A_96] {strides = array<i32>} : memref<528xf32, #tpu.memory_space<vmem>>, vector<16xf32>,
    %swap3A_98 = vector.shape_cast %swap3A_97 : vector<16xf32> to vector<16xf32>
    %swap3A_99 = vector.shape_cast %broadcast_in_dim3A_95 : vector<16xf32> to vector<16xf32>
    tpu.vector_store %arg7[%swap3A_96], %swap3A_99 {strides = array<i32>} : memref<528xf32, #tpu.memory_space<vmem>>, vector<16xf32>,
    %broadcast_in_dim3A_100 = arith.constant 0.000000e+00 : f32
    %broadcast_in_dim3A_101 = vector.broadcast %broadcast_in_dim3A_100 : f32 to vector<16xf32>
    %swap3A_102 = arith.constant 240 : index
    %swap3A_103 = tpu.vector_load %arg7[%swap3A_102] {strides = array<i32>} : memref<528xf32, #tpu.memory_space<vmem>>, vector<16xf32>,
    %swap3A_104 = vector.shape_cast %swap3A_103 : vector<16xf32> to vector<16xf32>
    %swap3A_105 = vector.shape_cast %broadcast_in_dim3A_101 : vector<16xf32> to vector<16xf32>
    tpu.vector_store %arg7[%swap3A_102], %swap3A_105 {strides = array<i32>} : memref<528xf32, #tpu.memory_space<vmem>>, vector<16xf32>,
    %broadcast_in_dim3A_106 = arith.constant 0.000000e+00 : f32
    %broadcast_in_dim3A_107 = vector.broadcast %broadcast_in_dim3A_106 : f32 to vector<16xf32>
    %swap3A_108 = arith.constant 256 : index
    %swap3A_109 = tpu.vector_load %arg7[%swap3A_108] {strides = array<i32>} : memref<528xf32, #tpu.memory_space<vmem>>, vector<16xf32>,
    %swap3A_110 = vector.shape_cast %swap3A_109 : vector<16xf32> to vector<16xf32>
    %swap3A_111 = vector.shape_cast %broadcast_in_dim3A_107 : vector<16xf32> to vector<16xf32>
    tpu.vector_store %arg7[%swap3A_108], %swap3A_111 {strides = array<i32>} : memref<528xf32, #tpu.memory_space<vmem>>, vector<16xf32>,
    %broadcast_in_dim3A_112 = arith.constant 0.000000e+00 : f32
    %broadcast_in_dim3A_113 = vector.broadcast %broadcast_in_dim3A_112 : f32 to vector<16xf32>
    %swap3A_114 = arith.constant 272 : index
    %swap3A_115 = tpu.vector_load %arg7[%swap3A_114] {strides = array<i32>} : memref<528xf32, #tpu.memory_space<vmem>>, vector<16xf32>,
    %swap3A_116 = vector.shape_cast %swap3A_115 : vector<16xf32> to vector<16xf32>
    %swap3A_117 = vector.shape_cast %broadcast_in_dim3A_113 : vector<16xf32> to vector<16xf32>
    tpu.vector_store %arg7[%swap3A_114], %swap3A_117 {strides = array<i32>} : memref<528xf32, #tpu.memory_space<vmem>>, vector<16xf32>,
    %broadcast_in_dim3A_118 = arith.constant 0.000000e+00 : f32
    %broadcast_in_dim3A_119 = vector.broadcast %broadcast_in_dim3A_118 : f32 to vector<16xf32>
    %swap3A_120 = arith.constant 288 : index
    %swap3A_121 = tpu.vector_load %arg7[%swap3A_120] {strides = array<i32>} : memref<528xf32, #tpu.memory_space<vmem>>, vector<16xf32>,
    %swap3A_122 = vector.shape_cast %swap3A_121 : vector<16xf32> to vector<16xf32>
    %swap3A_123 = vector.shape_cast %broadcast_in_dim3A_119 : vector<16xf32> to vector<16xf32>
    tpu.vector_store %arg7[%swap3A_120], %swap3A_123 {strides = array<i32>} : memref<528xf32, #tpu.memory_space<vmem>>, vector<16xf32>,
    %broadcast_in_dim3A_124 = arith.constant 0.000000e+00 : f32
    %broadcast_in_dim3A_125 = vector.broadcast %broadcast_in_dim3A_124 : f32 to vector<16xf32>
    %swap3A_126 = arith.constant 304 : index
    %swap3A_127 = tpu.vector_load %arg7[%swap3A_126] {strides = array<i32>} : memref<528xf32, #tpu.memory_space<vmem>>, vector<16xf32>,
    %swap3A_128 = vector.shape_cast %swap3A_127 : vector<16xf32> to vector<16xf32>
    %swap3A_129 = vector.shape_cast %broadcast_in_dim3A_125 : vector<16xf32> to vector<16xf32>
    tpu.vector_store %arg7[%swap3A_126], %swap3A_129 {strides = array<i32>} : memref<528xf32, #tpu.memory_space<vmem>>, vector<16xf32>,
    %broadcast_in_dim3A_130 = arith.constant 0.000000e+00 : f32
    %broadcast_in_dim3A_131 = vector.broadcast %broadcast_in_dim3A_130 : f32 to vector<16xf32>
    %swap3A_132 = arith.constant 320 : index
    %swap3A_133 = tpu.vector_load %arg7[%swap3A_132] {strides = array<i32>} : memref<528xf32, #tpu.memory_space<vmem>>, vector<16xf32>,
    %swap3A_134 = vector.shape_cast %swap3A_133 : vector<16xf32> to vector<16xf32>
    %swap3A_135 = vector.shape_cast %broadcast_in_dim3A_131 : vector<16xf32> to vector<16xf32>
    tpu.vector_store %arg7[%swap3A_132], %swap3A_135 {strides = array<i32>} : memref<528xf32, #tpu.memory_space<vmem>>, vector<16xf32>,
    %broadcast_in_dim3A_136 = arith.constant 0.000000e+00 : f32
    %broadcast_in_dim3A_137 = vector.broadcast %broadcast_in_dim3A_136 : f32 to vector<16xf32>
    %swap3A_138 = arith.constant 336 : index
    %swap3A_139 = tpu.vector_load %arg7[%swap3A_138] {strides = array<i32>} : memref<528xf32, #tpu.memory_space<vmem>>, vector<16xf32>,
    %swap3A_140 = vector.shape_cast %swap3A_139 : vector<16xf32> to vector<16xf32>
    %swap3A_141 = vector.shape_cast %broadcast_in_dim3A_137 : vector<16xf32> to vector<16xf32>
    tpu.vector_store %arg7[%swap3A_138], %swap3A_141 {strides = array<i32>} : memref<528xf32, #tpu.memory_space<vmem>>, vector<16xf32>,
    %broadcast_in_dim3A_142 = arith.constant 0.000000e+00 : f32
    %broadcast_in_dim3A_143 = vector.broadcast %broadcast_in_dim3A_142 : f32 to vector<16xf32>
    %swap3A_144 = arith.constant 352 : index
    %swap3A_145 = tpu.vector_load %arg7[%swap3A_144] {strides = array<i32>} : memref<528xf32, #tpu.memory_space<vmem>>, vector<16xf32>,
    %swap3A_146 = vector.shape_cast %swap3A_145 : vector<16xf32> to vector<16xf32>
    %swap3A_147 = vector.shape_cast %broadcast_in_dim3A_143 : vector<16xf32> to vector<16xf32>
    tpu.vector_store %arg7[%swap3A_144], %swap3A_147 {strides = array<i32>} : memref<528xf32, #tpu.memory_space<vmem>>, vector<16xf32>,
    %broadcast_in_dim3A_148 = arith.constant 0.000000e+00 : f32
    %broadcast_in_dim3A_149 = vector.broadcast %broadcast_in_dim3A_148 : f32 to vector<16xf32>
    %swap3A_150 = arith.constant 368 : index
    %swap3A_151 = tpu.vector_load %arg7[%swap3A_150] {strides = array<i32>} : memref<528xf32, #tpu.memory_space<vmem>>, vector<16xf32>,
    %swap3A_152 = vector.shape_cast %swap3A_151 : vector<16xf32> to vector<16xf32>
    %swap3A_153 = vector.shape_cast %broadcast_in_dim3A_149 : vector<16xf32> to vector<16xf32>
    tpu.vector_store %arg7[%swap3A_150], %swap3A_153 {strides = array<i32>} : memref<528xf32, #tpu.memory_space<vmem>>, vector<16xf32>,
    %broadcast_in_dim3A_154 = arith.constant 0.000000e+00 : f32
    %broadcast_in_dim3A_155 = vector.broadcast %broadcast_in_dim3A_154 : f32 to vector<16xf32>
    %swap3A_156 = arith.constant 384 : index
    %swap3A_157 = tpu.vector_load %arg7[%swap3A_156] {strides = array<i32>} : memref<528xf32, #tpu.memory_space<vmem>>, vector<16xf32>,
    %swap3A_158 = vector.shape_cast %swap3A_157 : vector<16xf32> to vector<16xf32>
    %swap3A_159 = vector.shape_cast %broadcast_in_dim3A_155 : vector<16xf32> to vector<16xf32>
    tpu.vector_store %arg7[%swap3A_156], %swap3A_159 {strides = array<i32>} : memref<528xf32, #tpu.memory_space<vmem>>, vector<16xf32>,
    %broadcast_in_dim3A_160 = arith.constant 0.000000e+00 : f32
    %broadcast_in_dim3A_161 = vector.broadcast %broadcast_in_dim3A_160 : f32 to vector<16xf32>
    %swap3A_162 = arith.constant 400 : index
    %swap3A_163 = tpu.vector_load %arg7[%swap3A_162] {strides = array<i32>} : memref<528xf32, #tpu.memory_space<vmem>>, vector<16xf32>,
    %swap3A_164 = vector.shape_cast %swap3A_163 : vector<16xf32> to vector<16xf32>
    %swap3A_165 = vector.shape_cast %broadcast_in_dim3A_161 : vector<16xf32> to vector<16xf32>
    tpu.vector_store %arg7[%swap3A_162], %swap3A_165 {strides = array<i32>} : memref<528xf32, #tpu.memory_space<vmem>>, vector<16xf32>,
    %broadcast_in_dim3A_166 = arith.constant 0.000000e+00 : f32
    %broadcast_in_dim3A_167 = vector.broadcast %broadcast_in_dim3A_166 : f32 to vector<16xf32>
    %swap3A_168 = arith.constant 416 : index
    %swap3A_169 = tpu.vector_load %arg7[%swap3A_168] {strides = array<i32>} : memref<528xf32, #tpu.memory_space<vmem>>, vector<16xf32>,
    %swap3A_170 = vector.shape_cast %swap3A_169 : vector<16xf32> to vector<16xf32>
    %swap3A_171 = vector.shape_cast %broadcast_in_dim3A_167 : vector<16xf32> to vector<16xf32>
    tpu.vector_store %arg7[%swap3A_168], %swap3A_171 {strides = array<i32>} : memref<528xf32, #tpu.memory_space<vmem>>, vector<16xf32>,
    %broadcast_in_dim3A_172 = arith.constant 0.000000e+00 : f32
    %broadcast_in_dim3A_173 = vector.broadcast %broadcast_in_dim3A_172 : f32 to vector<16xf32>
    %swap3A_174 = arith.constant 432 : index
    %swap3A_175 = tpu.vector_load %arg7[%swap3A_174] {strides = array<i32>} : memref<528xf32, #tpu.memory_space<vmem>>, vector<16xf32>,
    %swap3A_176 = vector.shape_cast %swap3A_175 : vector<16xf32> to vector<16xf32>
    %swap3A_177 = vector.shape_cast %broadcast_in_dim3A_173 : vector<16xf32> to vector<16xf32>
    tpu.vector_store %arg7[%swap3A_174], %swap3A_177 {strides = array<i32>} : memref<528xf32, #tpu.memory_space<vmem>>, vector<16xf32>,
    %broadcast_in_dim3A_178 = arith.constant 0.000000e+00 : f32
    %broadcast_in_dim3A_179 = vector.broadcast %broadcast_in_dim3A_178 : f32 to vector<16xf32>
    %swap3A_180 = arith.constant 448 : index
    %swap3A_181 = tpu.vector_load %arg7[%swap3A_180] {strides = array<i32>} : memref<528xf32, #tpu.memory_space<vmem>>, vector<16xf32>,
    %swap3A_182 = vector.shape_cast %swap3A_181 : vector<16xf32> to vector<16xf32>
    %swap3A_183 = vector.shape_cast %broadcast_in_dim3A_179 : vector<16xf32> to vector<16xf32>
    tpu.vector_store %arg7[%swap3A_180], %swap3A_183 {strides = array<i32>} : memref<528xf32, #tpu.memory_space<vmem>>, vector<16xf32>,
    %broadcast_in_dim3A_184 = arith.constant 0.000000e+00 : f32
    %broadcast_in_dim3A_185 = vector.broadcast %broadcast_in_dim3A_184 : f32 to vector<16xf32>
    %swap3A_186 = arith.constant 464 : index
    %swap3A_187 = tpu.vector_load %arg7[%swap3A_186] {strides = array<i32>} : memref<528xf32, #tpu.memory_space<vmem>>, vector<16xf32>,
    %swap3A_188 = vector.shape_cast %swap3A_187 : vector<16xf32> to vector<16xf32>
    %swap3A_189 = vector.shape_cast %broadcast_in_dim3A_185 : vector<16xf32> to vector<16xf32>
    tpu.vector_store %arg7[%swap3A_186], %swap3A_189 {strides = array<i32>} : memref<528xf32, #tpu.memory_space<vmem>>, vector<16xf32>,
    %broadcast_in_dim3A_190 = arith.constant 0.000000e+00 : f32
    %broadcast_in_dim3A_191 = vector.broadcast %broadcast_in_dim3A_190 : f32 to vector<16xf32>
    %swap3A_192 = arith.constant 480 : index
    %swap3A_193 = tpu.vector_load %arg7[%swap3A_192] {strides = array<i32>} : memref<528xf32, #tpu.memory_space<vmem>>, vector<16xf32>,
    %swap3A_194 = vector.shape_cast %swap3A_193 : vector<16xf32> to vector<16xf32>
    %swap3A_195 = vector.shape_cast %broadcast_in_dim3A_191 : vector<16xf32> to vector<16xf32>
    tpu.vector_store %arg7[%swap3A_192], %swap3A_195 {strides = array<i32>} : memref<528xf32, #tpu.memory_space<vmem>>, vector<16xf32>,
    %broadcast_in_dim3A_196 = arith.constant 0.000000e+00 : f32
    %broadcast_in_dim3A_197 = vector.broadcast %broadcast_in_dim3A_196 : f32 to vector<16xf32>
    %swap3A_198 = arith.constant 496 : index
    %swap3A_199 = tpu.vector_load %arg7[%swap3A_198] {strides = array<i32>} : memref<528xf32, #tpu.memory_space<vmem>>, vector<16xf32>,
    %swap3A_200 = vector.shape_cast %swap3A_199 : vector<16xf32> to vector<16xf32>
    %swap3A_201 = vector.shape_cast %broadcast_in_dim3A_197 : vector<16xf32> to vector<16xf32>
    tpu.vector_store %arg7[%swap3A_198], %swap3A_201 {strides = array<i32>} : memref<528xf32, #tpu.memory_space<vmem>>, vector<16xf32>,
    %broadcast_in_dim3A_202 = arith.constant 0.000000e+00 : f32
    %broadcast_in_dim3A_203 = vector.broadcast %broadcast_in_dim3A_202 : f32 to vector<16xf32>
    %swap3A_204 = arith.constant 512 : index
    %swap3A_205 = tpu.vector_load %arg7[%swap3A_204] {strides = array<i32>} : memref<528xf32, #tpu.memory_space<vmem>>, vector<16xf32>,
    %swap3A_206 = vector.shape_cast %swap3A_205 : vector<16xf32> to vector<16xf32>
    %swap3A_207 = vector.shape_cast %broadcast_in_dim3A_203 : vector<16xf32> to vector<16xf32>
    tpu.vector_store %arg7[%swap3A_204], %swap3A_207 {strides = array<i32>} : memref<528xf32, #tpu.memory_space<vmem>>, vector<16xf32>,
    %eq3A = arith.constant 0 : i32
    %eq3A_208 = arith.cmpi eq, %arg1, %eq3A : i32
    %convert_element_type3A = arith.extui %eq3A_208 : i1 to i32
    %cond3A = arith.constant 0 : i32
    %cond3A_209 = arith.cmpi ne, %convert_element_type3A, %cond3A : i32
    scf.if %cond3A_209 {
      "tpu.region"() ({
        %run_scoped3A = tpu.sem_alloc : memref<!tpu.dma_semaphore, #tpu.memory_space<semaphore_mem>>
        tpu.enqueue_dma source(%arg7 : memref<528xf32, #tpu.memory_space<vmem>>) target(%arg8 : memref<528xf32, #tpu.memory_space<vmem_shared>>) target_semaphore(%run_scoped3A : memref<!tpu.dma_semaphore, #tpu.memory_space<semaphore_mem>>)
        tpu.wait_dma2 semaphore(%run_scoped3A : memref<!tpu.dma_semaphore, #tpu.memory_space<semaphore_mem>>) src(%arg7 : memref<528xf32, #tpu.memory_space<vmem>>) dst(%arg8 : memref<528xf32, #tpu.memory_space<vmem_shared>>)
        tpu.yield
      }) : () -> ()
    } else {
    }
    %dma_wait3A = tpu.memref_slice %arg2[%mul3A_2] : memref<53248xf32, #tpu.memory_space<hbm>> -> memref<1664xf32, #tpu.memory_space<hbm>>
    %dma_wait3A_210 = tpu.memref_slice %arg2[%mul3A_2] : memref<53248xf32, #tpu.memory_space<hbm>> -> memref<1664xf32, #tpu.memory_space<hbm>>
    tpu.wait_dma2 semaphore(%arg9 : memref<!tpu.dma_semaphore, #tpu.memory_space<semaphore_mem>>) src(%dma_wait3A_210 : memref<1664xf32, #tpu.memory_space<hbm>>) dst(%arg5 : memref<1664xf32, #tpu.memory_space<vmem>>)
    %dma_wait3A_211 = arith.constant 0 : i32
    %dma_wait3A_212 = arith.constant 0 : i32
    %dma_wait3A_213 = tpu.memref_slice %arg3[%add3A, %dma_wait3A_211, %dma_wait3A_212] : memref<32x13x128xi32, #tpu.memory_space<hbm>> -> memref<1x13x128xi32, #tpu.memory_space<hbm>>
    %dma_wait3A_214 = tpu.memref_squeeze %dma_wait3A_213 : memref<1x13x128xi32, #tpu.memory_space<hbm>> -> memref<13x128xi32, #tpu.memory_space<hbm>>
    %dma_wait3A_215 = arith.constant 0 : i32
    %dma_wait3A_216 = arith.constant 0 : i32
    %dma_wait3A_217 = tpu.memref_slice %arg3[%add3A, %dma_wait3A_215, %dma_wait3A_216] : memref<32x13x128xi32, #tpu.memory_space<hbm>> -> memref<1x13x128xi32, #tpu.memory_space<hbm>>
    %dma_wait3A_218 = tpu.memref_squeeze %dma_wait3A_217 : memref<1x13x128xi32, #tpu.memory_space<hbm>> -> memref<13x128xi32, #tpu.memory_space<hbm>>
    tpu.wait_dma2 semaphore(%arg9 : memref<!tpu.dma_semaphore, #tpu.memory_space<semaphore_mem>>) src(%dma_wait3A_218 : memref<13x128xi32, #tpu.memory_space<hbm>>) dst(%arg6 : memref<13x128xi32, #tpu.memory_space<vmem>>)
    %barrier3A = arith.constant 0 : index
    tpu.barrier barrier_id(%barrier3A)
    %dma_start3A_219 = arith.constant 0 : i32
    %dma_start3A_220 = arith.constant 0 : i32
    %dma_start3A_221 = tpu.memref_slice %arg5[%dma_start3A_220] : memref<1664xf32, #tpu.memory_space<vmem>> -> memref<128xf32, #tpu.memory_space<vmem>>
    %dma_start3A_222 = arith.constant 0 : i32
    %dma_start3A_223 = tpu.memref_slice %arg6[%dma_start3A_219, %dma_start3A_222] : memref<13x128xi32, #tpu.memory_space<vmem>> -> memref<1x128xi32, #tpu.memory_space<vmem>>
    %dma_start3A_224 = tpu.memref_squeeze %dma_start3A_223 : memref<1x128xi32, #tpu.memory_space<vmem>> -> memref<128xi32, #tpu.memory_space<vmem>>
    %dma_start3A_225 = arith.constant 0 : i32
    %dma_start3A_226 = tpu.memref_slice %arg8[%dma_start3A_225] : memref<528xf32, #tpu.memory_space<vmem_shared>> -> memref<528xf32, #tpu.memory_space<vmem_shared>>
    tpu.enqueue_indirect_dma source(%dma_start3A_221 : memref<128xf32, #tpu.memory_space<vmem>>) target(%dma_start3A_226 : memref<528xf32, #tpu.memory_space<vmem_shared>>) offsets(%dma_start3A_224 : memref<128xi32, #tpu.memory_space<vmem>>) semaphore(%arg9 : memref<!tpu.dma_semaphore, #tpu.memory_space<semaphore_mem>>) {add = true}
    %dma_start3A_227 = arith.constant 1 : i32
    %dma_start3A_228 = arith.constant 128 : i32
    %dma_start3A_229 = tpu.memref_slice %arg5[%dma_start3A_228] : memref<1664xf32, #tpu.memory_space<vmem>> -> memref<128xf32, #tpu.memory_space<vmem>>
    %dma_start3A_230 = arith.constant 0 : i32
    %dma_start3A_231 = tpu.memref_slice %arg6[%dma_start3A_227, %dma_start3A_230] : memref<13x128xi32, #tpu.memory_space<vmem>> -> memref<1x128xi32, #tpu.memory_space<vmem>>
    %dma_start3A_232 = tpu.memref_squeeze %dma_start3A_231 : memref<1x128xi32, #tpu.memory_space<vmem>> -> memref<128xi32, #tpu.memory_space<vmem>>
    %dma_start3A_233 = arith.constant 0 : i32
    %dma_start3A_234 = tpu.memref_slice %arg8[%dma_start3A_233] : memref<528xf32, #tpu.memory_space<vmem_shared>> -> memref<528xf32, #tpu.memory_space<vmem_shared>>
    tpu.enqueue_indirect_dma source(%dma_start3A_229 : memref<128xf32, #tpu.memory_space<vmem>>) target(%dma_start3A_234 : memref<528xf32, #tpu.memory_space<vmem_shared>>) offsets(%dma_start3A_232 : memref<128xi32, #tpu.memory_space<vmem>>) semaphore(%arg9 : memref<!tpu.dma_semaphore, #tpu.memory_space<semaphore_mem>>) {add = true}
    %dma_start3A_235 = arith.constant 2 : i32
    %dma_start3A_236 = arith.constant 256 : i32
    %dma_start3A_237 = tpu.memref_slice %arg5[%dma_start3A_236] : memref<1664xf32, #tpu.memory_space<vmem>> -> memref<128xf32, #tpu.memory_space<vmem>>
    %dma_start3A_238 = arith.constant 0 : i32
    %dma_start3A_239 = tpu.memref_slice %arg6[%dma_start3A_235, %dma_start3A_238] : memref<13x128xi32, #tpu.memory_space<vmem>> -> memref<1x128xi32, #tpu.memory_space<vmem>>
    %dma_start3A_240 = tpu.memref_squeeze %dma_start3A_239 : memref<1x128xi32, #tpu.memory_space<vmem>> -> memref<128xi32, #tpu.memory_space<vmem>>
    %dma_start3A_241 = arith.constant 0 : i32
    %dma_start3A_242 = tpu.memref_slice %arg8[%dma_start3A_241] : memref<528xf32, #tpu.memory_space<vmem_shared>> -> memref<528xf32, #tpu.memory_space<vmem_shared>>
    tpu.enqueue_indirect_dma source(%dma_start3A_237 : memref<128xf32, #tpu.memory_space<vmem>>) target(%dma_start3A_242 : memref<528xf32, #tpu.memory_space<vmem_shared>>) offsets(%dma_start3A_240 : memref<128xi32, #tpu.memory_space<vmem>>) semaphore(%arg9 : memref<!tpu.dma_semaphore, #tpu.memory_space<semaphore_mem>>) {add = true}
    %dma_start3A_243 = arith.constant 3 : i32
    %dma_start3A_244 = arith.constant 384 : i32
    %dma_start3A_245 = tpu.memref_slice %arg5[%dma_start3A_244] : memref<1664xf32, #tpu.memory_space<vmem>> -> memref<128xf32, #tpu.memory_space<vmem>>
    %dma_start3A_246 = arith.constant 0 : i32
    %dma_start3A_247 = tpu.memref_slice %arg6[%dma_start3A_243, %dma_start3A_246] : memref<13x128xi32, #tpu.memory_space<vmem>> -> memref<1x128xi32, #tpu.memory_space<vmem>>
    %dma_start3A_248 = tpu.memref_squeeze %dma_start3A_247 : memref<1x128xi32, #tpu.memory_space<vmem>> -> memref<128xi32, #tpu.memory_space<vmem>>
    %dma_start3A_249 = arith.constant 0 : i32
    %dma_start3A_250 = tpu.memref_slice %arg8[%dma_start3A_249] : memref<528xf32, #tpu.memory_space<vmem_shared>> -> memref<528xf32, #tpu.memory_space<vmem_shared>>
    tpu.enqueue_indirect_dma source(%dma_start3A_245 : memref<128xf32, #tpu.memory_space<vmem>>) target(%dma_start3A_250 : memref<528xf32, #tpu.memory_space<vmem_shared>>) offsets(%dma_start3A_248 : memref<128xi32, #tpu.memory_space<vmem>>) semaphore(%arg9 : memref<!tpu.dma_semaphore, #tpu.memory_space<semaphore_mem>>) {add = true}
    %dma_start3A_251 = arith.constant 4 : i32
    %dma_start3A_252 = arith.constant 512 : i32
    %dma_start3A_253 = tpu.memref_slice %arg5[%dma_start3A_252] : memref<1664xf32, #tpu.memory_space<vmem>> -> memref<128xf32, #tpu.memory_space<vmem>>
    %dma_start3A_254 = arith.constant 0 : i32
    %dma_start3A_255 = tpu.memref_slice %arg6[%dma_start3A_251, %dma_start3A_254] : memref<13x128xi32, #tpu.memory_space<vmem>> -> memref<1x128xi32, #tpu.memory_space<vmem>>
    %dma_start3A_256 = tpu.memref_squeeze %dma_start3A_255 : memref<1x128xi32, #tpu.memory_space<vmem>> -> memref<128xi32, #tpu.memory_space<vmem>>
    %dma_start3A_257 = arith.constant 0 : i32
    %dma_start3A_258 = tpu.memref_slice %arg8[%dma_start3A_257] : memref<528xf32, #tpu.memory_space<vmem_shared>> -> memref<528xf32, #tpu.memory_space<vmem_shared>>
    tpu.enqueue_indirect_dma source(%dma_start3A_253 : memref<128xf32, #tpu.memory_space<vmem>>) target(%dma_start3A_258 : memref<528xf32, #tpu.memory_space<vmem_shared>>) offsets(%dma_start3A_256 : memref<128xi32, #tpu.memory_space<vmem>>) semaphore(%arg9 : memref<!tpu.dma_semaphore, #tpu.memory_space<semaphore_mem>>) {add = true}
    %dma_start3A_259 = arith.constant 5 : i32
    %dma_start3A_260 = arith.constant 640 : i32
    %dma_start3A_261 = tpu.memref_slice %arg5[%dma_start3A_260] : memref<1664xf32, #tpu.memory_space<vmem>> -> memref<128xf32, #tpu.memory_space<vmem>>
    %dma_start3A_262 = arith.constant 0 : i32
    %dma_start3A_263 = tpu.memref_slice %arg6[%dma_start3A_259, %dma_start3A_262] : memref<13x128xi32, #tpu.memory_space<vmem>> -> memref<1x128xi32, #tpu.memory_space<vmem>>
    %dma_start3A_264 = tpu.memref_squeeze %dma_start3A_263 : memref<1x128xi32, #tpu.memory_space<vmem>> -> memref<128xi32, #tpu.memory_space<vmem>>
    %dma_start3A_265 = arith.constant 0 : i32
    %dma_start3A_266 = tpu.memref_slice %arg8[%dma_start3A_265] : memref<528xf32, #tpu.memory_space<vmem_shared>> -> memref<528xf32, #tpu.memory_space<vmem_shared>>
    tpu.enqueue_indirect_dma source(%dma_start3A_261 : memref<128xf32, #tpu.memory_space<vmem>>) target(%dma_start3A_266 : memref<528xf32, #tpu.memory_space<vmem_shared>>) offsets(%dma_start3A_264 : memref<128xi32, #tpu.memory_space<vmem>>) semaphore(%arg9 : memref<!tpu.dma_semaphore, #tpu.memory_space<semaphore_mem>>) {add = true}
    %dma_start3A_267 = arith.constant 6 : i32
    %dma_start3A_268 = arith.constant 768 : i32
    %dma_start3A_269 = tpu.memref_slice %arg5[%dma_start3A_268] : memref<1664xf32, #tpu.memory_space<vmem>> -> memref<128xf32, #tpu.memory_space<vmem>>
    %dma_start3A_270 = arith.constant 0 : i32
    %dma_start3A_271 = tpu.memref_slice %arg6[%dma_start3A_267, %dma_start3A_270] : memref<13x128xi32, #tpu.memory_space<vmem>> -> memref<1x128xi32, #tpu.memory_space<vmem>>
    %dma_start3A_272 = tpu.memref_squeeze %dma_start3A_271 : memref<1x128xi32, #tpu.memory_space<vmem>> -> memref<128xi32, #tpu.memory_space<vmem>>
    %dma_start3A_273 = arith.constant 0 : i32
    %dma_start3A_274 = tpu.memref_slice %arg8[%dma_start3A_273] : memref<528xf32, #tpu.memory_space<vmem_shared>> -> memref<528xf32, #tpu.memory_space<vmem_shared>>
    tpu.enqueue_indirect_dma source(%dma_start3A_269 : memref<128xf32, #tpu.memory_space<vmem>>) target(%dma_start3A_274 : memref<528xf32, #tpu.memory_space<vmem_shared>>) offsets(%dma_start3A_272 : memref<128xi32, #tpu.memory_space<vmem>>) semaphore(%arg9 : memref<!tpu.dma_semaphore, #tpu.memory_space<semaphore_mem>>) {add = true}
    %dma_start3A_275 = arith.constant 7 : i32
    %dma_start3A_276 = arith.constant 896 : i32
    %dma_start3A_277 = tpu.memref_slice %arg5[%dma_start3A_276] : memref<1664xf32, #tpu.memory_space<vmem>> -> memref<128xf32, #tpu.memory_space<vmem>>
    %dma_start3A_278 = arith.constant 0 : i32
    %dma_start3A_279 = tpu.memref_slice %arg6[%dma_start3A_275, %dma_start3A_278] : memref<13x128xi32, #tpu.memory_space<vmem>> -> memref<1x128xi32, #tpu.memory_space<vmem>>
    %dma_start3A_280 = tpu.memref_squeeze %dma_start3A_279 : memref<1x128xi32, #tpu.memory_space<vmem>> -> memref<128xi32, #tpu.memory_space<vmem>>
    %dma_start3A_281 = arith.constant 0 : i32
    %dma_start3A_282 = tpu.memref_slice %arg8[%dma_start3A_281] : memref<528xf32, #tpu.memory_space<vmem_shared>> -> memref<528xf32, #tpu.memory_space<vmem_shared>>
    tpu.enqueue_indirect_dma source(%dma_start3A_277 : memref<128xf32, #tpu.memory_space<vmem>>) target(%dma_start3A_282 : memref<528xf32, #tpu.memory_space<vmem_shared>>) offsets(%dma_start3A_280 : memref<128xi32, #tpu.memory_space<vmem>>) semaphore(%arg9 : memref<!tpu.dma_semaphore, #tpu.memory_space<semaphore_mem>>) {add = true}
    %dma_start3A_283 = arith.constant 8 : i32
    %dma_start3A_284 = arith.constant 1024 : i32
    %dma_start3A_285 = tpu.memref_slice %arg5[%dma_start3A_284] : memref<1664xf32, #tpu.memory_space<vmem>> -> memref<128xf32, #tpu.memory_space<vmem>>
    %dma_start3A_286 = arith.constant 0 : i32
    %dma_start3A_287 = tpu.memref_slice %arg6[%dma_start3A_283, %dma_start3A_286] : memref<13x128xi32, #tpu.memory_space<vmem>> -> memref<1x128xi32, #tpu.memory_space<vmem>>
    %dma_start3A_288 = tpu.memref_squeeze %dma_start3A_287 : memref<1x128xi32, #tpu.memory_space<vmem>> -> memref<128xi32, #tpu.memory_space<vmem>>
    %dma_start3A_289 = arith.constant 0 : i32
    %dma_start3A_290 = tpu.memref_slice %arg8[%dma_start3A_289] : memref<528xf32, #tpu.memory_space<vmem_shared>> -> memref<528xf32, #tpu.memory_space<vmem_shared>>
    tpu.enqueue_indirect_dma source(%dma_start3A_285 : memref<128xf32, #tpu.memory_space<vmem>>) target(%dma_start3A_290 : memref<528xf32, #tpu.memory_space<vmem_shared>>) offsets(%dma_start3A_288 : memref<128xi32, #tpu.memory_space<vmem>>) semaphore(%arg9 : memref<!tpu.dma_semaphore, #tpu.memory_space<semaphore_mem>>) {add = true}
    %dma_start3A_291 = arith.constant 9 : i32
    %dma_start3A_292 = arith.constant 1152 : i32
    %dma_start3A_293 = tpu.memref_slice %arg5[%dma_start3A_292] : memref<1664xf32, #tpu.memory_space<vmem>> -> memref<128xf32, #tpu.memory_space<vmem>>
    %dma_start3A_294 = arith.constant 0 : i32
    %dma_start3A_295 = tpu.memref_slice %arg6[%dma_start3A_291, %dma_start3A_294] : memref<13x128xi32, #tpu.memory_space<vmem>> -> memref<1x128xi32, #tpu.memory_space<vmem>>
    %dma_start3A_296 = tpu.memref_squeeze %dma_start3A_295 : memref<1x128xi32, #tpu.memory_space<vmem>> -> memref<128xi32, #tpu.memory_space<vmem>>
    %dma_start3A_297 = arith.constant 0 : i32
    %dma_start3A_298 = tpu.memref_slice %arg8[%dma_start3A_297] : memref<528xf32, #tpu.memory_space<vmem_shared>> -> memref<528xf32, #tpu.memory_space<vmem_shared>>
    tpu.enqueue_indirect_dma source(%dma_start3A_293 : memref<128xf32, #tpu.memory_space<vmem>>) target(%dma_start3A_298 : memref<528xf32, #tpu.memory_space<vmem_shared>>) offsets(%dma_start3A_296 : memref<128xi32, #tpu.memory_space<vmem>>) semaphore(%arg9 : memref<!tpu.dma_semaphore, #tpu.memory_space<semaphore_mem>>) {add = true}
    %dma_start3A_299 = arith.constant 10 : i32
    %dma_start3A_300 = arith.constant 1280 : i32
    %dma_start3A_301 = tpu.memref_slice %arg5[%dma_start3A_300] : memref<1664xf32, #tpu.memory_space<vmem>> -> memref<128xf32, #tpu.memory_space<vmem>>
    %dma_start3A_302 = arith.constant 0 : i32
    %dma_start3A_303 = tpu.memref_slice %arg6[%dma_start3A_299, %dma_start3A_302] : memref<13x128xi32, #tpu.memory_space<vmem>> -> memref<1x128xi32, #tpu.memory_space<vmem>>
    %dma_start3A_304 = tpu.memref_squeeze %dma_start3A_303 : memref<1x128xi32, #tpu.memory_space<vmem>> -> memref<128xi32, #tpu.memory_space<vmem>>
    %dma_start3A_305 = arith.constant 0 : i32
    %dma_start3A_306 = tpu.memref_slice %arg8[%dma_start3A_305] : memref<528xf32, #tpu.memory_space<vmem_shared>> -> memref<528xf32, #tpu.memory_space<vmem_shared>>
    tpu.enqueue_indirect_dma source(%dma_start3A_301 : memref<128xf32, #tpu.memory_space<vmem>>) target(%dma_start3A_306 : memref<528xf32, #tpu.memory_space<vmem_shared>>) offsets(%dma_start3A_304 : memref<128xi32, #tpu.memory_space<vmem>>) semaphore(%arg9 : memref<!tpu.dma_semaphore, #tpu.memory_space<semaphore_mem>>) {add = true}
    %dma_start3A_307 = arith.constant 11 : i32
    %dma_start3A_308 = arith.constant 1408 : i32
    %dma_start3A_309 = tpu.memref_slice %arg5[%dma_start3A_308] : memref<1664xf32, #tpu.memory_space<vmem>> -> memref<128xf32, #tpu.memory_space<vmem>>
    %dma_start3A_310 = arith.constant 0 : i32
    %dma_start3A_311 = tpu.memref_slice %arg6[%dma_start3A_307, %dma_start3A_310] : memref<13x128xi32, #tpu.memory_space<vmem>> -> memref<1x128xi32, #tpu.memory_space<vmem>>
    %dma_start3A_312 = tpu.memref_squeeze %dma_start3A_311 : memref<1x128xi32, #tpu.memory_space<vmem>> -> memref<128xi32, #tpu.memory_space<vmem>>
    %dma_start3A_313 = arith.constant 0 : i32
    %dma_start3A_314 = tpu.memref_slice %arg8[%dma_start3A_313] : memref<528xf32, #tpu.memory_space<vmem_shared>> -> memref<528xf32, #tpu.memory_space<vmem_shared>>
    tpu.enqueue_indirect_dma source(%dma_start3A_309 : memref<128xf32, #tpu.memory_space<vmem>>) target(%dma_start3A_314 : memref<528xf32, #tpu.memory_space<vmem_shared>>) offsets(%dma_start3A_312 : memref<128xi32, #tpu.memory_space<vmem>>) semaphore(%arg9 : memref<!tpu.dma_semaphore, #tpu.memory_space<semaphore_mem>>) {add = true}
    %dma_start3A_315 = arith.constant 12 : i32
    %dma_start3A_316 = arith.constant 1536 : i32
    %dma_start3A_317 = tpu.memref_slice %arg5[%dma_start3A_316] : memref<1664xf32, #tpu.memory_space<vmem>> -> memref<128xf32, #tpu.memory_space<vmem>>
    %dma_start3A_318 = arith.constant 0 : i32
    %dma_start3A_319 = tpu.memref_slice %arg6[%dma_start3A_315, %dma_start3A_318] : memref<13x128xi32, #tpu.memory_space<vmem>> -> memref<1x128xi32, #tpu.memory_space<vmem>>
    %dma_start3A_320 = tpu.memref_squeeze %dma_start3A_319 : memref<1x128xi32, #tpu.memory_space<vmem>> -> memref<128xi32, #tpu.memory_space<vmem>>
    %dma_start3A_321 = arith.constant 0 : i32
    %dma_start3A_322 = tpu.memref_slice %arg8[%dma_start3A_321] : memref<528xf32, #tpu.memory_space<vmem_shared>> -> memref<528xf32, #tpu.memory_space<vmem_shared>>
    tpu.enqueue_indirect_dma source(%dma_start3A_317 : memref<128xf32, #tpu.memory_space<vmem>>) target(%dma_start3A_322 : memref<528xf32, #tpu.memory_space<vmem_shared>>) offsets(%dma_start3A_320 : memref<128xi32, #tpu.memory_space<vmem>>) semaphore(%arg9 : memref<!tpu.dma_semaphore, #tpu.memory_space<semaphore_mem>>) {add = true}
    %dma_wait3A_323 = arith.constant 0 : i32
    %dma_wait3A_324 = arith.constant 0 : i32
    %dma_wait3A_325 = tpu.memref_slice %arg5[%dma_wait3A_324] : memref<1664xf32, #tpu.memory_space<vmem>> -> memref<128xf32, #tpu.memory_space<vmem>>
    %dma_wait3A_326 = arith.constant 0 : i32
    %dma_wait3A_327 = tpu.memref_slice %arg6[%dma_wait3A_323, %dma_wait3A_326] : memref<13x128xi32, #tpu.memory_space<vmem>> -> memref<1x128xi32, #tpu.memory_space<vmem>>
    %dma_wait3A_328 = tpu.memref_squeeze %dma_wait3A_327 : memref<1x128xi32, #tpu.memory_space<vmem>> -> memref<128xi32, #tpu.memory_space<vmem>>
    %dma_wait3A_329 = arith.constant 0 : i32
    %dma_wait3A_330 = tpu.memref_slice %arg8[%dma_wait3A_329] : memref<528xf32, #tpu.memory_space<vmem_shared>> -> memref<528xf32, #tpu.memory_space<vmem_shared>>
    tpu.wait_indirect_dma semaphore(%arg9 : memref<!tpu.dma_semaphore, #tpu.memory_space<semaphore_mem>>) src(%dma_wait3A_325 : memref<128xf32, #tpu.memory_space<vmem>>) dst(%dma_wait3A_330 : memref<528xf32, #tpu.memory_space<vmem_shared>>)
    %dma_wait3A_331 = arith.constant 1 : i32
    %dma_wait3A_332 = arith.constant 128 : i32
    %dma_wait3A_333 = tpu.memref_slice %arg5[%dma_wait3A_332] : memref<1664xf32, #tpu.memory_space<vmem>> -> memref<128xf32, #tpu.memory_space<vmem>>
    %dma_wait3A_334 = arith.constant 0 : i32
    %dma_wait3A_335 = tpu.memref_slice %arg6[%dma_wait3A_331, %dma_wait3A_334] : memref<13x128xi32, #tpu.memory_space<vmem>> -> memref<1x128xi32, #tpu.memory_space<vmem>>
    %dma_wait3A_336 = tpu.memref_squeeze %dma_wait3A_335 : memref<1x128xi32, #tpu.memory_space<vmem>> -> memref<128xi32, #tpu.memory_space<vmem>>
    %dma_wait3A_337 = arith.constant 0 : i32
    %dma_wait3A_338 = tpu.memref_slice %arg8[%dma_wait3A_337] : memref<528xf32, #tpu.memory_space<vmem_shared>> -> memref<528xf32, #tpu.memory_space<vmem_shared>>
    tpu.wait_indirect_dma semaphore(%arg9 : memref<!tpu.dma_semaphore, #tpu.memory_space<semaphore_mem>>) src(%dma_wait3A_333 : memref<128xf32, #tpu.memory_space<vmem>>) dst(%dma_wait3A_338 : memref<528xf32, #tpu.memory_space<vmem_shared>>)
    %dma_wait3A_339 = arith.constant 2 : i32
    %dma_wait3A_340 = arith.constant 256 : i32
    %dma_wait3A_341 = tpu.memref_slice %arg5[%dma_wait3A_340] : memref<1664xf32, #tpu.memory_space<vmem>> -> memref<128xf32, #tpu.memory_space<vmem>>
    %dma_wait3A_342 = arith.constant 0 : i32
    %dma_wait3A_343 = tpu.memref_slice %arg6[%dma_wait3A_339, %dma_wait3A_342] : memref<13x128xi32, #tpu.memory_space<vmem>> -> memref<1x128xi32, #tpu.memory_space<vmem>>
    %dma_wait3A_344 = tpu.memref_squeeze %dma_wait3A_343 : memref<1x128xi32, #tpu.memory_space<vmem>> -> memref<128xi32, #tpu.memory_space<vmem>>
    %dma_wait3A_345 = arith.constant 0 : i32
    %dma_wait3A_346 = tpu.memref_slice %arg8[%dma_wait3A_345] : memref<528xf32, #tpu.memory_space<vmem_shared>> -> memref<528xf32, #tpu.memory_space<vmem_shared>>
    tpu.wait_indirect_dma semaphore(%arg9 : memref<!tpu.dma_semaphore, #tpu.memory_space<semaphore_mem>>) src(%dma_wait3A_341 : memref<128xf32, #tpu.memory_space<vmem>>) dst(%dma_wait3A_346 : memref<528xf32, #tpu.memory_space<vmem_shared>>)
    %dma_wait3A_347 = arith.constant 3 : i32
    %dma_wait3A_348 = arith.constant 384 : i32
    %dma_wait3A_349 = tpu.memref_slice %arg5[%dma_wait3A_348] : memref<1664xf32, #tpu.memory_space<vmem>> -> memref<128xf32, #tpu.memory_space<vmem>>
    %dma_wait3A_350 = arith.constant 0 : i32
    %dma_wait3A_351 = tpu.memref_slice %arg6[%dma_wait3A_347, %dma_wait3A_350] : memref<13x128xi32, #tpu.memory_space<vmem>> -> memref<1x128xi32, #tpu.memory_space<vmem>>
    %dma_wait3A_352 = tpu.memref_squeeze %dma_wait3A_351 : memref<1x128xi32, #tpu.memory_space<vmem>> -> memref<128xi32, #tpu.memory_space<vmem>>
    %dma_wait3A_353 = arith.constant 0 : i32
    %dma_wait3A_354 = tpu.memref_slice %arg8[%dma_wait3A_353] : memref<528xf32, #tpu.memory_space<vmem_shared>> -> memref<528xf32, #tpu.memory_space<vmem_shared>>
    tpu.wait_indirect_dma semaphore(%arg9 : memref<!tpu.dma_semaphore, #tpu.memory_space<semaphore_mem>>) src(%dma_wait3A_349 : memref<128xf32, #tpu.memory_space<vmem>>) dst(%dma_wait3A_354 : memref<528xf32, #tpu.memory_space<vmem_shared>>)
    %dma_wait3A_355 = arith.constant 4 : i32
    %dma_wait3A_356 = arith.constant 512 : i32
    %dma_wait3A_357 = tpu.memref_slice %arg5[%dma_wait3A_356] : memref<1664xf32, #tpu.memory_space<vmem>> -> memref<128xf32, #tpu.memory_space<vmem>>
    %dma_wait3A_358 = arith.constant 0 : i32
    %dma_wait3A_359 = tpu.memref_slice %arg6[%dma_wait3A_355, %dma_wait3A_358] : memref<13x128xi32, #tpu.memory_space<vmem>> -> memref<1x128xi32, #tpu.memory_space<vmem>>
    %dma_wait3A_360 = tpu.memref_squeeze %dma_wait3A_359 : memref<1x128xi32, #tpu.memory_space<vmem>> -> memref<128xi32, #tpu.memory_space<vmem>>
    %dma_wait3A_361 = arith.constant 0 : i32
    %dma_wait3A_362 = tpu.memref_slice %arg8[%dma_wait3A_361] : memref<528xf32, #tpu.memory_space<vmem_shared>> -> memref<528xf32, #tpu.memory_space<vmem_shared>>
    tpu.wait_indirect_dma semaphore(%arg9 : memref<!tpu.dma_semaphore, #tpu.memory_space<semaphore_mem>>) src(%dma_wait3A_357 : memref<128xf32, #tpu.memory_space<vmem>>) dst(%dma_wait3A_362 : memref<528xf32, #tpu.memory_space<vmem_shared>>)
    %dma_wait3A_363 = arith.constant 5 : i32
    %dma_wait3A_364 = arith.constant 640 : i32
    %dma_wait3A_365 = tpu.memref_slice %arg5[%dma_wait3A_364] : memref<1664xf32, #tpu.memory_space<vmem>> -> memref<128xf32, #tpu.memory_space<vmem>>
    %dma_wait3A_366 = arith.constant 0 : i32
    %dma_wait3A_367 = tpu.memref_slice %arg6[%dma_wait3A_363, %dma_wait3A_366] : memref<13x128xi32, #tpu.memory_space<vmem>> -> memref<1x128xi32, #tpu.memory_space<vmem>>
    %dma_wait3A_368 = tpu.memref_squeeze %dma_wait3A_367 : memref<1x128xi32, #tpu.memory_space<vmem>> -> memref<128xi32, #tpu.memory_space<vmem>>
    %dma_wait3A_369 = arith.constant 0 : i32
    %dma_wait3A_370 = tpu.memref_slice %arg8[%dma_wait3A_369] : memref<528xf32, #tpu.memory_space<vmem_shared>> -> memref<528xf32, #tpu.memory_space<vmem_shared>>
    tpu.wait_indirect_dma semaphore(%arg9 : memref<!tpu.dma_semaphore, #tpu.memory_space<semaphore_mem>>) src(%dma_wait3A_365 : memref<128xf32, #tpu.memory_space<vmem>>) dst(%dma_wait3A_370 : memref<528xf32, #tpu.memory_space<vmem_shared>>)
    %dma_wait3A_371 = arith.constant 6 : i32
    %dma_wait3A_372 = arith.constant 768 : i32
    %dma_wait3A_373 = tpu.memref_slice %arg5[%dma_wait3A_372] : memref<1664xf32, #tpu.memory_space<vmem>> -> memref<128xf32, #tpu.memory_space<vmem>>
    %dma_wait3A_374 = arith.constant 0 : i32
    %dma_wait3A_375 = tpu.memref_slice %arg6[%dma_wait3A_371, %dma_wait3A_374] : memref<13x128xi32, #tpu.memory_space<vmem>> -> memref<1x128xi32, #tpu.memory_space<vmem>>
    %dma_wait3A_376 = tpu.memref_squeeze %dma_wait3A_375 : memref<1x128xi32, #tpu.memory_space<vmem>> -> memref<128xi32, #tpu.memory_space<vmem>>
    %dma_wait3A_377 = arith.constant 0 : i32
    %dma_wait3A_378 = tpu.memref_slice %arg8[%dma_wait3A_377] : memref<528xf32, #tpu.memory_space<vmem_shared>> -> memref<528xf32, #tpu.memory_space<vmem_shared>>
    tpu.wait_indirect_dma semaphore(%arg9 : memref<!tpu.dma_semaphore, #tpu.memory_space<semaphore_mem>>) src(%dma_wait3A_373 : memref<128xf32, #tpu.memory_space<vmem>>) dst(%dma_wait3A_378 : memref<528xf32, #tpu.memory_space<vmem_shared>>)
    %dma_wait3A_379 = arith.constant 7 : i32
    %dma_wait3A_380 = arith.constant 896 : i32
    %dma_wait3A_381 = tpu.memref_slice %arg5[%dma_wait3A_380] : memref<1664xf32, #tpu.memory_space<vmem>> -> memref<128xf32, #tpu.memory_space<vmem>>
    %dma_wait3A_382 = arith.constant 0 : i32
    %dma_wait3A_383 = tpu.memref_slice %arg6[%dma_wait3A_379, %dma_wait3A_382] : memref<13x128xi32, #tpu.memory_space<vmem>> -> memref<1x128xi32, #tpu.memory_space<vmem>>
    %dma_wait3A_384 = tpu.memref_squeeze %dma_wait3A_383 : memref<1x128xi32, #tpu.memory_space<vmem>> -> memref<128xi32, #tpu.memory_space<vmem>>
    %dma_wait3A_385 = arith.constant 0 : i32
    %dma_wait3A_386 = tpu.memref_slice %arg8[%dma_wait3A_385] : memref<528xf32, #tpu.memory_space<vmem_shared>> -> memref<528xf32, #tpu.memory_space<vmem_shared>>
    tpu.wait_indirect_dma semaphore(%arg9 : memref<!tpu.dma_semaphore, #tpu.memory_space<semaphore_mem>>) src(%dma_wait3A_381 : memref<128xf32, #tpu.memory_space<vmem>>) dst(%dma_wait3A_386 : memref<528xf32, #tpu.memory_space<vmem_shared>>)
    %dma_wait3A_387 = arith.constant 8 : i32
    %dma_wait3A_388 = arith.constant 1024 : i32
    %dma_wait3A_389 = tpu.memref_slice %arg5[%dma_wait3A_388] : memref<1664xf32, #tpu.memory_space<vmem>> -> memref<128xf32, #tpu.memory_space<vmem>>
    %dma_wait3A_390 = arith.constant 0 : i32
    %dma_wait3A_391 = tpu.memref_slice %arg6[%dma_wait3A_387, %dma_wait3A_390] : memref<13x128xi32, #tpu.memory_space<vmem>> -> memref<1x128xi32, #tpu.memory_space<vmem>>
    %dma_wait3A_392 = tpu.memref_squeeze %dma_wait3A_391 : memref<1x128xi32, #tpu.memory_space<vmem>> -> memref<128xi32, #tpu.memory_space<vmem>>
    %dma_wait3A_393 = arith.constant 0 : i32
    %dma_wait3A_394 = tpu.memref_slice %arg8[%dma_wait3A_393] : memref<528xf32, #tpu.memory_space<vmem_shared>> -> memref<528xf32, #tpu.memory_space<vmem_shared>>
    tpu.wait_indirect_dma semaphore(%arg9 : memref<!tpu.dma_semaphore, #tpu.memory_space<semaphore_mem>>) src(%dma_wait3A_389 : memref<128xf32, #tpu.memory_space<vmem>>) dst(%dma_wait3A_394 : memref<528xf32, #tpu.memory_space<vmem_shared>>)
    %dma_wait3A_395 = arith.constant 9 : i32
    %dma_wait3A_396 = arith.constant 1152 : i32
    %dma_wait3A_397 = tpu.memref_slice %arg5[%dma_wait3A_396] : memref<1664xf32, #tpu.memory_space<vmem>> -> memref<128xf32, #tpu.memory_space<vmem>>
    %dma_wait3A_398 = arith.constant 0 : i32
    %dma_wait3A_399 = tpu.memref_slice %arg6[%dma_wait3A_395, %dma_wait3A_398] : memref<13x128xi32, #tpu.memory_space<vmem>> -> memref<1x128xi32, #tpu.memory_space<vmem>>
    %dma_wait3A_400 = tpu.memref_squeeze %dma_wait3A_399 : memref<1x128xi32, #tpu.memory_space<vmem>> -> memref<128xi32, #tpu.memory_space<vmem>>
    %dma_wait3A_401 = arith.constant 0 : i32
    %dma_wait3A_402 = tpu.memref_slice %arg8[%dma_wait3A_401] : memref<528xf32, #tpu.memory_space<vmem_shared>> -> memref<528xf32, #tpu.memory_space<vmem_shared>>
    tpu.wait_indirect_dma semaphore(%arg9 : memref<!tpu.dma_semaphore, #tpu.memory_space<semaphore_mem>>) src(%dma_wait3A_397 : memref<128xf32, #tpu.memory_space<vmem>>) dst(%dma_wait3A_402 : memref<528xf32, #tpu.memory_space<vmem_shared>>)
    %dma_wait3A_403 = arith.constant 10 : i32
    %dma_wait3A_404 = arith.constant 1280 : i32
    %dma_wait3A_405 = tpu.memref_slice %arg5[%dma_wait3A_404] : memref<1664xf32, #tpu.memory_space<vmem>> -> memref<128xf32, #tpu.memory_space<vmem>>
    %dma_wait3A_406 = arith.constant 0 : i32
    %dma_wait3A_407 = tpu.memref_slice %arg6[%dma_wait3A_403, %dma_wait3A_406] : memref<13x128xi32, #tpu.memory_space<vmem>> -> memref<1x128xi32, #tpu.memory_space<vmem>>
    %dma_wait3A_408 = tpu.memref_squeeze %dma_wait3A_407 : memref<1x128xi32, #tpu.memory_space<vmem>> -> memref<128xi32, #tpu.memory_space<vmem>>
    %dma_wait3A_409 = arith.constant 0 : i32
    %dma_wait3A_410 = tpu.memref_slice %arg8[%dma_wait3A_409] : memref<528xf32, #tpu.memory_space<vmem_shared>> -> memref<528xf32, #tpu.memory_space<vmem_shared>>
    tpu.wait_indirect_dma semaphore(%arg9 : memref<!tpu.dma_semaphore, #tpu.memory_space<semaphore_mem>>) src(%dma_wait3A_405 : memref<128xf32, #tpu.memory_space<vmem>>) dst(%dma_wait3A_410 : memref<528xf32, #tpu.memory_space<vmem_shared>>)
    %dma_wait3A_411 = arith.constant 11 : i32
    %dma_wait3A_412 = arith.constant 1408 : i32
    %dma_wait3A_413 = tpu.memref_slice %arg5[%dma_wait3A_412] : memref<1664xf32, #tpu.memory_space<vmem>> -> memref<128xf32, #tpu.memory_space<vmem>>
    %dma_wait3A_414 = arith.constant 0 : i32
    %dma_wait3A_415 = tpu.memref_slice %arg6[%dma_wait3A_411, %dma_wait3A_414] : memref<13x128xi32, #tpu.memory_space<vmem>> -> memref<1x128xi32, #tpu.memory_space<vmem>>
    %dma_wait3A_416 = tpu.memref_squeeze %dma_wait3A_415 : memref<1x128xi32, #tpu.memory_space<vmem>> -> memref<128xi32, #tpu.memory_space<vmem>>
    %dma_wait3A_417 = arith.constant 0 : i32
    %dma_wait3A_418 = tpu.memref_slice %arg8[%dma_wait3A_417] : memref<528xf32, #tpu.memory_space<vmem_shared>> -> memref<528xf32, #tpu.memory_space<vmem_shared>>
    tpu.wait_indirect_dma semaphore(%arg9 : memref<!tpu.dma_semaphore, #tpu.memory_space<semaphore_mem>>) src(%dma_wait3A_413 : memref<128xf32, #tpu.memory_space<vmem>>) dst(%dma_wait3A_418 : memref<528xf32, #tpu.memory_space<vmem_shared>>)
    %dma_wait3A_419 = arith.constant 12 : i32
    %dma_wait3A_420 = arith.constant 1536 : i32
    %dma_wait3A_421 = tpu.memref_slice %arg5[%dma_wait3A_420] : memref<1664xf32, #tpu.memory_space<vmem>> -> memref<128xf32, #tpu.memory_space<vmem>>
    %dma_wait3A_422 = arith.constant 0 : i32
    %dma_wait3A_423 = tpu.memref_slice %arg6[%dma_wait3A_419, %dma_wait3A_422] : memref<13x128xi32, #tpu.memory_space<vmem>> -> memref<1x128xi32, #tpu.memory_space<vmem>>
    %dma_wait3A_424 = tpu.memref_squeeze %dma_wait3A_423 : memref<1x128xi32, #tpu.memory_space<vmem>> -> memref<128xi32, #tpu.memory_space<vmem>>
    %dma_wait3A_425 = arith.constant 0 : i32
    %dma_wait3A_426 = tpu.memref_slice %arg8[%dma_wait3A_425] : memref<528xf32, #tpu.memory_space<vmem_shared>> -> memref<528xf32, #tpu.memory_space<vmem_shared>>
    tpu.wait_indirect_dma semaphore(%arg9 : memref<!tpu.dma_semaphore, #tpu.memory_space<semaphore_mem>>) src(%dma_wait3A_421 : memref<128xf32, #tpu.memory_space<vmem>>) dst(%dma_wait3A_426 : memref<528xf32, #tpu.memory_space<vmem_shared>>)
    %barrier3A_427 = arith.constant 0 : index
    tpu.barrier barrier_id(%barrier3A_427)
    %eq3A_428 = arith.constant 0 : i32
    %eq3A_429 = arith.cmpi eq, %arg1, %eq3A_428 : i32
    %convert_element_type3A_430 = arith.extui %eq3A_429 : i1 to i32
    %cond3A_431 = arith.constant 0 : i32
    %cond3A_432 = arith.cmpi ne, %convert_element_type3A_430, %cond3A_431 : i32
    scf.if %cond3A_432 {
      "tpu.region"() ({
        %run_scoped3A = tpu.sem_alloc : memref<!tpu.dma_semaphore, #tpu.memory_space<semaphore_mem>>
        %dma_start3A_433 = arith.constant 0 : i32
        %dma_start3A_434 = tpu.memref_slice %arg4[%arg0, %dma_start3A_433] : memref<2x512xf32, #tpu.memory_space<hbm>> -> memref<1x512xf32, #tpu.memory_space<hbm>>
        %dma_start3A_435 = tpu.memref_squeeze %dma_start3A_434 : memref<1x512xf32, #tpu.memory_space<hbm>> -> memref<512xf32, #tpu.memory_space<hbm>>
        %dma_start3A_436 = arith.constant 0 : i32
        %dma_start3A_437 = tpu.memref_slice %arg8[%dma_start3A_436] : memref<528xf32, #tpu.memory_space<vmem_shared>> -> memref<512xf32, #tpu.memory_space<vmem_shared>>
        tpu.enqueue_dma source(%dma_start3A_437 : memref<512xf32, #tpu.memory_space<vmem_shared>>) target(%dma_start3A_435 : memref<512xf32, #tpu.memory_space<hbm>>) target_semaphore(%run_scoped3A : memref<!tpu.dma_semaphore, #tpu.memory_space<semaphore_mem>>)
        %dma_wait3A_438 = arith.constant 0 : i32
        %dma_wait3A_439 = tpu.memref_slice %arg4[%arg0, %dma_wait3A_438] : memref<2x512xf32, #tpu.memory_space<hbm>> -> memref<1x512xf32, #tpu.memory_space<hbm>>
        %dma_wait3A_440 = tpu.memref_squeeze %dma_wait3A_439 : memref<1x512xf32, #tpu.memory_space<hbm>> -> memref<512xf32, #tpu.memory_space<hbm>>
        %dma_wait3A_441 = arith.constant 0 : i32
        %dma_wait3A_442 = tpu.memref_slice %arg8[%dma_wait3A_441] : memref<528xf32, #tpu.memory_space<vmem_shared>> -> memref<512xf32, #tpu.memory_space<vmem_shared>>
        tpu.wait_dma2 semaphore(%run_scoped3A : memref<!tpu.dma_semaphore, #tpu.memory_space<semaphore_mem>>) src(%dma_wait3A_442 : memref<512xf32, #tpu.memory_space<vmem_shared>>) dst(%dma_wait3A_440 : memref<512xf32, #tpu.memory_space<hbm>>)
        tpu.yield
      }) : () -> ()
    } else {
    }
    return
  }
}

module attributes {stable_mosaic.version = 14 : i64} {
  func.func @_mlp_body(%arg0: i32, %arg1: memref<1024x1280xf32, #tpu.memory_space<vmem>>, %arg2: memref<1280x256xbf16, #tpu.memory_space<vmem>>, %arg3: memref<256x256xbf16, #tpu.memory_space<vmem>>, %arg4: memref<256x256xbf16, #tpu.memory_space<vmem>>, %arg5: memref<256x256xbf16, #tpu.memory_space<vmem>>, %arg6: memref<256x256xbf16, #tpu.memory_space<vmem>>, %arg7: memref<256x16xbf16, #tpu.memory_space<vmem>>, %arg8: memref<256x16xbf16, #tpu.memory_space<vmem>>, %arg9: memref<1024xf32, #tpu.memory_space<vmem>>) attributes {dimension_semantics = [#tpu.dimension_semantics<parallel>], iteration_bounds = array<i64: 49>, scalar_prefetch = 0 : i64, scratch_operands = 0 : i64, tpu.core_type = #tpu.core_type<tc>, window_params = [{transform_indices = @transform_0, window_bounds = array<i64: 1024, 1280>}, {pipeline_mode = #tpu.pipeline_mode<synchronous>, transform_indices = @transform_1, window_bounds = array<i64: 1280, 256>}, {pipeline_mode = #tpu.pipeline_mode<synchronous>, transform_indices = @transform_2, window_bounds = array<i64: 256, 256>}, {pipeline_mode = #tpu.pipeline_mode<synchronous>, transform_indices = @transform_3, window_bounds = array<i64: 256, 256>}, {pipeline_mode = #tpu.pipeline_mode<synchronous>, transform_indices = @transform_4, window_bounds = array<i64: 256, 256>}, {pipeline_mode = #tpu.pipeline_mode<synchronous>, transform_indices = @transform_5, window_bounds = array<i64: 256, 256>}, {pipeline_mode = #tpu.pipeline_mode<synchronous>, transform_indices = @transform_6, window_bounds = array<i64: 256, 16>}, {pipeline_mode = #tpu.pipeline_mode<synchronous>, transform_indices = @transform_7, window_bounds = array<i64: 256, 16>}, {transform_indices = @transform_8, window_bounds = array<i64: 1024>}]} {
    %get3A = arith.constant 0 : index
    %get3A_0 = arith.constant 0 : index
    %get3A_1 = vector.load %arg1[%get3A, %get3A_0] : memref<1024x1280xf32, #tpu.memory_space<vmem>>, vector<512x1280xf32>
    %get3A_2 = arith.constant 0 : index
    %get3A_3 = arith.constant 0 : index
    %get3A_4 = vector.load %arg2[%get3A_2, %get3A_3] : memref<1280x256xbf16, #tpu.memory_space<vmem>>, vector<1280x256xbf16>
    %get3A_5 = arith.constant 0 : index
    %get3A_6 = arith.constant 0 : index
    %get3A_7 = vector.load %arg3[%get3A_5, %get3A_6] : memref<256x256xbf16, #tpu.memory_space<vmem>>, vector<256x256xbf16>
    %get3A_8 = arith.constant 0 : index
    %get3A_9 = arith.constant 0 : index
    %get3A_10 = vector.load %arg4[%get3A_8, %get3A_9] : memref<256x256xbf16, #tpu.memory_space<vmem>>, vector<256x256xbf16>
    %get3A_11 = arith.constant 0 : index
    %get3A_12 = arith.constant 0 : index
    %get3A_13 = vector.load %arg5[%get3A_11, %get3A_12] : memref<256x256xbf16, #tpu.memory_space<vmem>>, vector<256x256xbf16>
    %get3A_14 = arith.constant 0 : index
    %get3A_15 = arith.constant 0 : index
    %get3A_16 = vector.load %arg6[%get3A_14, %get3A_15] : memref<256x256xbf16, #tpu.memory_space<vmem>>, vector<256x256xbf16>
    %get3A_17 = arith.constant 0 : index
    %get3A_18 = arith.constant 0 : index
    %get3A_19 = vector.load %arg7[%get3A_17, %get3A_18] : memref<256x16xbf16, #tpu.memory_space<vmem>>, vector<256x16xbf16>
    %get3A_20 = arith.constant 0 : index
    %get3A_21 = arith.constant 0 : index
    %get3A_22 = vector.load %arg8[%get3A_20, %get3A_21] : memref<256x16xbf16, #tpu.memory_space<vmem>>, vector<256x16xbf16>
    %convert_element_type3A = arith.truncf %get3A_1 : vector<512x1280xf32> to vector<512x1280xbf16>
    %dot_general3A = arith.constant dense<0.000000e+00> : vector<512x256xf32>
    %dot_general3A_23 = tpu.matmul %convert_element_type3A, %get3A_4, %dot_general3A {dimension_numbers = #tpu.dot_dimension_numbers<[1], [0], [0], [1], [0, 0, 1, 1], [], []>, transpose_lhs_hint = false} : vector<512x1280xbf16>, vector<1280x256xbf16>, vector<512x256xf32> -> vector<512x256xf32>
    %tanh3A = math.tanh %dot_general3A_23 : vector<512x256xf32>
    %mul3A = arith.mulf %dot_general3A_23, %tanh3A : vector<512x256xf32>
    %add3A = arith.addf %dot_general3A_23, %mul3A : vector<512x256xf32>
    %convert_element_type3A_24 = arith.truncf %add3A : vector<512x256xf32> to vector<512x256xbf16>
    %dot_general3A_25 = arith.constant dense<0.000000e+00> : vector<512x256xf32>
    %dot_general3A_26 = tpu.matmul %convert_element_type3A_24, %get3A_7, %dot_general3A_25 {dimension_numbers = #tpu.dot_dimension_numbers<[1], [0], [0], [1], [0, 0, 1, 1], [], []>, transpose_lhs_hint = false} : vector<512x256xbf16>, vector<256x256xbf16>, vector<512x256xf32> -> vector<512x256xf32>
    %tanh3A_27 = math.tanh %dot_general3A_26 : vector<512x256xf32>
    %mul3A_28 = arith.mulf %dot_general3A_26, %tanh3A_27 : vector<512x256xf32>
    %add3A_29 = arith.addf %dot_general3A_26, %mul3A_28 : vector<512x256xf32>
    %convert_element_type3A_30 = arith.truncf %add3A_29 : vector<512x256xf32> to vector<512x256xbf16>
    %dot_general3A_31 = arith.constant dense<0.000000e+00> : vector<512x256xf32>
    %dot_general3A_32 = tpu.matmul %convert_element_type3A_30, %get3A_10, %dot_general3A_31 {dimension_numbers = #tpu.dot_dimension_numbers<[1], [0], [0], [1], [0, 0, 1, 1], [], []>, transpose_lhs_hint = false} : vector<512x256xbf16>, vector<256x256xbf16>, vector<512x256xf32> -> vector<512x256xf32>
    %tanh3A_33 = math.tanh %dot_general3A_32 : vector<512x256xf32>
    %mul3A_34 = arith.mulf %dot_general3A_32, %tanh3A_33 : vector<512x256xf32>
    %add3A_35 = arith.addf %dot_general3A_32, %mul3A_34 : vector<512x256xf32>
    %add3A_36 = arith.addf %add3A, %add3A_35 : vector<512x256xf32>
    %convert_element_type3A_37 = arith.truncf %add3A_36 : vector<512x256xf32> to vector<512x256xbf16>
    %dot_general3A_38 = arith.constant dense<0.000000e+00> : vector<512x256xf32>
    %dot_general3A_39 = tpu.matmul %convert_element_type3A_37, %get3A_13, %dot_general3A_38 {dimension_numbers = #tpu.dot_dimension_numbers<[1], [0], [0], [1], [0, 0, 1, 1], [], []>, transpose_lhs_hint = false} : vector<512x256xbf16>, vector<256x256xbf16>, vector<512x256xf32> -> vector<512x256xf32>
    %tanh3A_40 = math.tanh %dot_general3A_39 : vector<512x256xf32>
    %mul3A_41 = arith.mulf %dot_general3A_39, %tanh3A_40 : vector<512x256xf32>
    %add3A_42 = arith.addf %dot_general3A_39, %mul3A_41 : vector<512x256xf32>
    %convert_element_type3A_43 = arith.truncf %add3A_42 : vector<512x256xf32> to vector<512x256xbf16>
    %dot_general3A_44 = arith.constant dense<0.000000e+00> : vector<512x256xf32>
    %dot_general3A_45 = tpu.matmul %convert_element_type3A_43, %get3A_16, %dot_general3A_44 {dimension_numbers = #tpu.dot_dimension_numbers<[1], [0], [0], [1], [0, 0, 1, 1], [], []>, transpose_lhs_hint = false} : vector<512x256xbf16>, vector<256x256xbf16>, vector<512x256xf32> -> vector<512x256xf32>
    %tanh3A_46 = math.tanh %dot_general3A_45 : vector<512x256xf32>
    %mul3A_47 = arith.mulf %dot_general3A_45, %tanh3A_46 : vector<512x256xf32>
    %add3A_48 = arith.addf %dot_general3A_45, %mul3A_47 : vector<512x256xf32>
    %dot_general3A_49 = arith.constant dense<0.000000e+00> : vector<512x16xf32>
    %dot_general3A_50 = tpu.matmul %convert_element_type3A_37, %get3A_19, %dot_general3A_49 {dimension_numbers = #tpu.dot_dimension_numbers<[1], [0], [0], [1], [0, 0, 1, 1], [], []>, transpose_lhs_hint = false} : vector<512x256xbf16>, vector<256x16xbf16>, vector<512x16xf32> -> vector<512x16xf32>
    %convert_element_type3A_51 = arith.truncf %add3A_48 : vector<512x256xf32> to vector<512x256xbf16>
    %dot_general3A_52 = arith.constant dense<0.000000e+00> : vector<512x16xf32>
    %dot_general3A_53 = tpu.matmul %convert_element_type3A_51, %get3A_22, %dot_general3A_52 {dimension_numbers = #tpu.dot_dimension_numbers<[1], [0], [0], [1], [0, 0, 1, 1], [], []>, transpose_lhs_hint = false} : vector<512x256xbf16>, vector<256x16xbf16>, vector<512x16xf32> -> vector<512x16xf32>
    %add3A_54 = arith.addf %dot_general3A_50, %dot_general3A_53 : vector<512x16xf32>
    %reduce_sum3A = arith.constant dense<0.000000e+00> : vector<512xf32>
    %reduce_sum3A_55 = vector.multi_reduction <add>, %add3A_54, %reduce_sum3A [1] : vector<512x16xf32> to vector<512xf32>
    %swap3A = arith.constant 0 : index
    %swap3A_56 = vector.load %arg9[%swap3A] : memref<1024xf32, #tpu.memory_space<vmem>>, vector<512xf32>
    tpu.vector_store %arg9[%swap3A], %reduce_sum3A_55 {strides = array<i32>} : memref<1024xf32, #tpu.memory_space<vmem>>, vector<512xf32>,
    %get3A_57 = arith.constant 512 : index
    %get3A_58 = arith.constant 0 : index
    %get3A_59 = vector.load %arg1[%get3A_57, %get3A_58] : memref<1024x1280xf32, #tpu.memory_space<vmem>>, vector<512x1280xf32>
    %get3A_60 = arith.constant 0 : index
    %get3A_61 = arith.constant 0 : index
    %get3A_62 = vector.load %arg2[%get3A_60, %get3A_61] : memref<1280x256xbf16, #tpu.memory_space<vmem>>, vector<1280x256xbf16>
    %get3A_63 = arith.constant 0 : index
    %get3A_64 = arith.constant 0 : index
    %get3A_65 = vector.load %arg3[%get3A_63, %get3A_64] : memref<256x256xbf16, #tpu.memory_space<vmem>>, vector<256x256xbf16>
    %get3A_66 = arith.constant 0 : index
    %get3A_67 = arith.constant 0 : index
    %get3A_68 = vector.load %arg4[%get3A_66, %get3A_67] : memref<256x256xbf16, #tpu.memory_space<vmem>>, vector<256x256xbf16>
    %get3A_69 = arith.constant 0 : index
    %get3A_70 = arith.constant 0 : index
    %get3A_71 = vector.load %arg5[%get3A_69, %get3A_70] : memref<256x256xbf16, #tpu.memory_space<vmem>>, vector<256x256xbf16>
    %get3A_72 = arith.constant 0 : index
    %get3A_73 = arith.constant 0 : index
    %get3A_74 = vector.load %arg6[%get3A_72, %get3A_73] : memref<256x256xbf16, #tpu.memory_space<vmem>>, vector<256x256xbf16>
    %get3A_75 = arith.constant 0 : index
    %get3A_76 = arith.constant 0 : index
    %get3A_77 = vector.load %arg7[%get3A_75, %get3A_76] : memref<256x16xbf16, #tpu.memory_space<vmem>>, vector<256x16xbf16>
    %get3A_78 = arith.constant 0 : index
    %get3A_79 = arith.constant 0 : index
    %get3A_80 = vector.load %arg8[%get3A_78, %get3A_79] : memref<256x16xbf16, #tpu.memory_space<vmem>>, vector<256x16xbf16>
    %convert_element_type3A_81 = arith.truncf %get3A_59 : vector<512x1280xf32> to vector<512x1280xbf16>
    %dot_general3A_82 = arith.constant dense<0.000000e+00> : vector<512x256xf32>
    %dot_general3A_83 = tpu.matmul %convert_element_type3A_81, %get3A_62, %dot_general3A_82 {dimension_numbers = #tpu.dot_dimension_numbers<[1], [0], [0], [1], [0, 0, 1, 1], [], []>, transpose_lhs_hint = false} : vector<512x1280xbf16>, vector<1280x256xbf16>, vector<512x256xf32> -> vector<512x256xf32>
    %tanh3A_84 = math.tanh %dot_general3A_83 : vector<512x256xf32>
    %mul3A_85 = arith.mulf %dot_general3A_83, %tanh3A_84 : vector<512x256xf32>
    %add3A_86 = arith.addf %dot_general3A_83, %mul3A_85 : vector<512x256xf32>
    %convert_element_type3A_87 = arith.truncf %add3A_86 : vector<512x256xf32> to vector<512x256xbf16>
    %dot_general3A_88 = arith.constant dense<0.000000e+00> : vector<512x256xf32>
    %dot_general3A_89 = tpu.matmul %convert_element_type3A_87, %get3A_65, %dot_general3A_88 {dimension_numbers = #tpu.dot_dimension_numbers<[1], [0], [0], [1], [0, 0, 1, 1], [], []>, transpose_lhs_hint = false} : vector<512x256xbf16>, vector<256x256xbf16>, vector<512x256xf32> -> vector<512x256xf32>
    %tanh3A_90 = math.tanh %dot_general3A_89 : vector<512x256xf32>
    %mul3A_91 = arith.mulf %dot_general3A_89, %tanh3A_90 : vector<512x256xf32>
    %add3A_92 = arith.addf %dot_general3A_89, %mul3A_91 : vector<512x256xf32>
    %convert_element_type3A_93 = arith.truncf %add3A_92 : vector<512x256xf32> to vector<512x256xbf16>
    %dot_general3A_94 = arith.constant dense<0.000000e+00> : vector<512x256xf32>
    %dot_general3A_95 = tpu.matmul %convert_element_type3A_93, %get3A_68, %dot_general3A_94 {dimension_numbers = #tpu.dot_dimension_numbers<[1], [0], [0], [1], [0, 0, 1, 1], [], []>, transpose_lhs_hint = false} : vector<512x256xbf16>, vector<256x256xbf16>, vector<512x256xf32> -> vector<512x256xf32>
    %tanh3A_96 = math.tanh %dot_general3A_95 : vector<512x256xf32>
    %mul3A_97 = arith.mulf %dot_general3A_95, %tanh3A_96 : vector<512x256xf32>
    %add3A_98 = arith.addf %dot_general3A_95, %mul3A_97 : vector<512x256xf32>
    %add3A_99 = arith.addf %add3A_86, %add3A_98 : vector<512x256xf32>
    %convert_element_type3A_100 = arith.truncf %add3A_99 : vector<512x256xf32> to vector<512x256xbf16>
    %dot_general3A_101 = arith.constant dense<0.000000e+00> : vector<512x256xf32>
    %dot_general3A_102 = tpu.matmul %convert_element_type3A_100, %get3A_71, %dot_general3A_101 {dimension_numbers = #tpu.dot_dimension_numbers<[1], [0], [0], [1], [0, 0, 1, 1], [], []>, transpose_lhs_hint = false} : vector<512x256xbf16>, vector<256x256xbf16>, vector<512x256xf32> -> vector<512x256xf32>
    %tanh3A_103 = math.tanh %dot_general3A_102 : vector<512x256xf32>
    %mul3A_104 = arith.mulf %dot_general3A_102, %tanh3A_103 : vector<512x256xf32>
    %add3A_105 = arith.addf %dot_general3A_102, %mul3A_104 : vector<512x256xf32>
    %convert_element_type3A_106 = arith.truncf %add3A_105 : vector<512x256xf32> to vector<512x256xbf16>
    %dot_general3A_107 = arith.constant dense<0.000000e+00> : vector<512x256xf32>
    %dot_general3A_108 = tpu.matmul %convert_element_type3A_106, %get3A_74, %dot_general3A_107 {dimension_numbers = #tpu.dot_dimension_numbers<[1], [0], [0], [1], [0, 0, 1, 1], [], []>, transpose_lhs_hint = false} : vector<512x256xbf16>, vector<256x256xbf16>, vector<512x256xf32> -> vector<512x256xf32>
    %tanh3A_109 = math.tanh %dot_general3A_108 : vector<512x256xf32>
    %mul3A_110 = arith.mulf %dot_general3A_108, %tanh3A_109 : vector<512x256xf32>
    %add3A_111 = arith.addf %dot_general3A_108, %mul3A_110 : vector<512x256xf32>
    %dot_general3A_112 = arith.constant dense<0.000000e+00> : vector<512x16xf32>
    %dot_general3A_113 = tpu.matmul %convert_element_type3A_100, %get3A_77, %dot_general3A_112 {dimension_numbers = #tpu.dot_dimension_numbers<[1], [0], [0], [1], [0, 0, 1, 1], [], []>, transpose_lhs_hint = false} : vector<512x256xbf16>, vector<256x16xbf16>, vector<512x16xf32> -> vector<512x16xf32>
    %convert_element_type3A_114 = arith.truncf %add3A_111 : vector<512x256xf32> to vector<512x256xbf16>
    %dot_general3A_115 = arith.constant dense<0.000000e+00> : vector<512x16xf32>
    %dot_general3A_116 = tpu.matmul %convert_element_type3A_114, %get3A_80, %dot_general3A_115 {dimension_numbers = #tpu.dot_dimension_numbers<[1], [0], [0], [1], [0, 0, 1, 1], [], []>, transpose_lhs_hint = false} : vector<512x256xbf16>, vector<256x16xbf16>, vector<512x16xf32> -> vector<512x16xf32>
    %add3A_117 = arith.addf %dot_general3A_113, %dot_general3A_116 : vector<512x16xf32>
    %reduce_sum3A_118 = arith.constant dense<0.000000e+00> : vector<512xf32>
    %reduce_sum3A_119 = vector.multi_reduction <add>, %add3A_117, %reduce_sum3A_118 [1] : vector<512x16xf32> to vector<512xf32>
    %swap3A_120 = arith.constant 512 : index
    %swap3A_121 = vector.load %arg9[%swap3A_120] : memref<1024xf32, #tpu.memory_space<vmem>>, vector<512xf32>
    tpu.vector_store %arg9[%swap3A_120], %reduce_sum3A_119 {strides = array<i32>} : memref<1024xf32, #tpu.memory_space<vmem>>, vector<512xf32>,
    return
  }
  func.func @transform_0(%arg0: i32) -> (i32, i32) {
    %c0_i32 = arith.constant 0 : i32
    %c0_i32_0 = arith.constant 0 : i32
    return %arg0, %c0_i32 : i32, i32
  }
  func.func @transform_1(%arg0: i32) -> (i32, i32) {
    %c0_i32 = arith.constant 0 : i32
    %c0_i32_0 = arith.constant 0 : i32
    %c0_i32_1 = arith.constant 0 : i32
    return %c0_i32, %c0_i32_0 : i32, i32
  }
  func.func @transform_2(%arg0: i32) -> (i32, i32) {
    %c0_i32 = arith.constant 0 : i32
    %c0_i32_0 = arith.constant 0 : i32
    %c0_i32_1 = arith.constant 0 : i32
    return %c0_i32, %c0_i32_0 : i32, i32
  }
  func.func @transform_3(%arg0: i32) -> (i32, i32) {
    %c0_i32 = arith.constant 0 : i32
    %c0_i32_0 = arith.constant 0 : i32
    %c0_i32_1 = arith.constant 0 : i32
    return %c0_i32, %c0_i32_0 : i32, i32
  }
  func.func @transform_4(%arg0: i32) -> (i32, i32) {
    %c0_i32 = arith.constant 0 : i32
    %c0_i32_0 = arith.constant 0 : i32
    %c0_i32_1 = arith.constant 0 : i32
    return %c0_i32, %c0_i32_0 : i32, i32
  }
  func.func @transform_5(%arg0: i32) -> (i32, i32) {
    %c0_i32 = arith.constant 0 : i32
    %c0_i32_0 = arith.constant 0 : i32
    %c0_i32_1 = arith.constant 0 : i32
    return %c0_i32, %c0_i32_0 : i32, i32
  }
  func.func @transform_6(%arg0: i32) -> (i32, i32) {
    %c0_i32 = arith.constant 0 : i32
    %c0_i32_0 = arith.constant 0 : i32
    %c0_i32_1 = arith.constant 0 : i32
    return %c0_i32, %c0_i32_0 : i32, i32
  }
  func.func @transform_7(%arg0: i32) -> (i32, i32) {
    %c0_i32 = arith.constant 0 : i32
    %c0_i32_0 = arith.constant 0 : i32
    %c0_i32_1 = arith.constant 0 : i32
    return %c0_i32, %c0_i32_0 : i32, i32
  }
  func.func @transform_8(%arg0: i32) -> i32 {
    %c0_i32 = arith.constant 0 : i32
    return %arg0 : i32
  }
}

</mosaic_0001>

<sc_bundles>
// kernel: kernel.4.cloned.1.call-start
scs
__scs_entry_jumppad:
0x0: {  	(pc) =	sbr.rel $0x88, $3  }
0x1: {  	(tag) =	ssettag $0x0;
	lr =	simm.s32 $0x1  }
0x2: {  	[smem:$0x3F99] =	sst lr;
	_ =	strace $0xD0000000  }
0x3: {  	_ = 	snop  }
0x4: {  	_ = 	snop  }
0x5: {  	_ = 	snop  }
0x6: {  	_ = 	snop  }
0x7: {  	_ = 	snop  }
__scs_overlays_trampoline_lowered:
0x8: {  	[smem:$0x3FA8] =	sst s0  }
0x9: {  	[smem:$0x3FA9] =	sst s1  }
0xa: {  	[smem:$0x3FAA] =	sst s2  }
0xb: {  	[smem:$0x3FAB] =	sst s3  }
0xc: {  	[smem:$0x3FAC] =	sst s4  }
0xd: {  	[smem:$0x3FAD] =	sst s5  }
0xe: {  	[smem:$0x3FAE] =	sst s6  }
0xf: {  	[smem:$0x3FAF] =	sst s7  }
0x10: {  	[smem:$0x3FB0] =	sst s8  }
0x11: {  	[smem:$0x3FB1] =	sst s9;
	s0 =	simm.s32 @!p0 $0x0  }
0x12: {  	s1 =	sld [smem:$0x3F97];
	s0 =	simm.s32 @p0 $0x1  }
0x13: {  	[smem:$0x3FB2] =	sst s0;
	s0 =	simm.s32 @!p1 $0x0  }
0x14: {  	s2 =	sld [smem:$0x3F96];
	s0 =	simm.s32 @p1 $0x1  }
0x15: {  	[smem:$0x3FB3] =	sst s0;
	s0 =	simm.s32 @!p2 $0x0  }
0x16: {  	s3 =	sld [smem:$0x3FDB];
	s0 =	simm.s32 @p2 $0x1  }
0x17: {  	s4 =	simm.s32 $0x1BF5;
	[smem:$0x3FB5] =	sst s0  }
0x18: {  	s0 =	sld [smem:$0x3F98];
	_ =	swait.ge [sflag:s4], $0x0  }
0x19: {  	s7 =	sld [smem:$0x3F99]  }
0x1a: {  	s8 =	sadd.s32 $0xFFFFE003, lr  }
0x1b: {  	s9 =	sadd.s32 $0xFFFFFEF7, lr;
	s5 =	simm.s32 $0xFFFFFFFF;
	p2 =	slt.u32 s8, $0xFFFFF086  }
0x1c: {  	p1 =	slt.u32 s9, $0xF7A;
	s5 =	simm.s32 @!p2 $0x0  }
0x1d: {  	s5 =	simm.s32 @p1 $0x1;
	p0 =	seq.s32 s7, s2  }
0x1e: {  	s7 =	smul.u32 @!p0 $0xF7A, s2;
	p2 =	seq.s32 @!p0 s5, $0x0  }
0x1f: {  	s9 =	smul.u32 $0xF7A, s1;
	s8 =	simm.s32 @!p0 $0x1BF5;
	p2 =	por !p2, p0  }
0x20: {  	[sflag:s8] =	ssyncset.s32 @!p0 $0xFFFFF086;
	s6 =	sadd.s32 @!p0 s3, s7;
	s7 =	simm.s32 @!p0 $0x108  }
0x21: {  	s3 =	sadd.s32 s3, s9;
	s6 =	sadd.s32 @!p0 $0x88, s6;
	s7 =	simm.s32 @p2 $0x1082  }
0x22: {  	[simem:s7], [sflag:s8] =	dma.local @!p0 [hbm:s6], $0xF7A  }
0x23: {  	s9 =	sor.u32 $0xD0000000, s2;
	s6 =	simm.s32 $0x108;
	_ =	swait.ge @!p0 [sflag:s8], $0x0  }
0x24: {  	s3 =	sadd.s32 $0x88, s3;
	s6 =	simm.s32 @!p1 $0x1082;
	[sflag:s4] =	ssyncset.s32 $0xFFFFF086  }
0x25: {  	[simem:s6], [sflag:s4] =	dma.local [hbm:s3], $0xF7A  }
0x26: {  	[smem:$0x3F99] =	sst s1;
	(tag) =	ssettag s2;
	_ =	strace s9  }
0x27: {  	s1 =	sld [smem:$0x3FA9]  }
0x28: {  	s2 =	sld [smem:$0x3FAA]  }
0x29: {  	s4 =	sld [smem:$0x3FAC]  }
0x2a: {  	p0 =	seq.s32 s5, $0x0;
	s5 =	sld [smem:$0x3FAD]  }
0x2b: {  	s6 =	sld [smem:$0x3FAE]  }
0x2c: {  	s7 =	sld [smem:$0x3FAF]  }
0x2d: {  	s3 =	simm.s32 $0x108;
	s8 =	sld [smem:$0x3FB0]  }
0x2e: {  	s3 =	simm.s32 @!p0 $0x1082;
	s9 =	sld [smem:$0x3FB1]  }
0x2f: {  	lr =	sadd.s32 s0, s3;
	s0 =	sld [smem:$0x3FA8]  }
0x30: {  	s3 =	sld [smem:$0x3FAB]  }
0x31: {  	[smem:$0x3FB4] =	sst s10  }
0x32: {  	s10 =	sld [smem:$0x3FB2];
	_ =	sdelay $0x3  }
0x33: {  	p0 =	seq.s32 s10, $0x1;
	s10 =	sld [smem:$0x3FB4];
	_ =	sdelay $0x3  }
0x34: {  	[smem:$0x3FB4] =	sst s10  }
0x35: {  	s10 =	sld [smem:$0x3FB3];
	_ =	sdelay $0x3  }
0x36: {  	p1 =	seq.s32 s10, $0x1;
	s10 =	sld [smem:$0x3FB4];
	_ =	sdelay $0x3  }
0x37: {  	[smem:$0x3FB4] =	sst s10  }
0x38: {  	s10 =	sld [smem:$0x3FB5]  }
0x39: {  	_ = 	snop;
	(pc) =	sbr.ind lr, $3  }
0x3a: {  	_ = 	snop  }
0x3b: {  	_ = 	snop  }
0x3c: {  	p2 =	seq.s32 s10, $0x1;
	s10 =	sld [smem:$0x3FB4]  }
0x3d: {  	_ =	shalt  }
0x3e: {  	_ =	shalt  }
0x3f: {  	_ =	shalt  }
0x40: {  	_ =	shalt  }
0x41: {  	_ =	shalt  }
0x42: {  	_ =	shalt  }
0x43: {  	_ =	shalt  }
0x44: {  	_ =	shalt  }
0x45: {  	_ =	shalt  }
0x46: {  	_ =	shalt  }
0x47: {  	_ =	shalt  }
0x48: {  	_ =	shalt  }
0x49: {  	_ =	shalt  }
0x4a: {  	_ =	shalt  }
0x4b: {  	_ =	shalt  }
0x4c: {  	_ =	shalt  }
0x4d: {  	_ =	shalt  }
0x4e: {  	_ =	shalt  }
0x4f: {  	_ =	shalt  }
0x50: {  	_ =	shalt  }
0x51: {  	_ =	shalt  }
0x52: {  	_ =	shalt  }
0x53: {  	_ =	shalt  }
0x54: {  	_ =	shalt  }
0x55: {  	_ =	shalt  }
0x56: {  	_ =	shalt  }
0x57: {  	_ =	shalt  }
0x58: {  	_ =	shalt  }
0x59: {  	_ =	shalt  }
0x5a: {  	_ =	shalt  }
0x5b: {  	_ =	shalt  }
0x5c: {  	_ =	shalt  }
0x5d: {  	_ =	shalt  }
0x5e: {  	_ =	shalt  }
0x5f: {  	_ =	shalt  }
0x60: {  	_ =	shalt  }
0x61: {  	_ =	shalt  }
0x62: {  	_ =	shalt  }
0x63: {  	_ =	shalt  }
0x64: {  	_ =	shalt  }
0x65: {  	_ =	shalt  }
0x66: {  	_ =	shalt  }
0x67: {  	_ =	shalt  }
0x68: {  	_ =	shalt  }
0x69: {  	_ =	shalt  }
0x6a: {  	_ =	shalt  }
0x6b: {  	_ =	shalt  }
0x6c: {  	_ =	shalt  }
0x6d: {  	_ =	shalt  }
0x6e: {  	_ =	shalt  }
0x6f: {  	_ =	shalt  }
0x70: {  	_ =	shalt  }
0x71: {  	_ =	shalt  }
0x72: {  	_ =	shalt  }
0x73: {  	_ =	shalt  }
0x74: {  	_ =	shalt  }
0x75: {  	_ =	shalt  }
0x76: {  	_ =	shalt  }
0x77: {  	_ =	shalt  }
0x78: {  	_ =	shalt  }
0x79: {  	_ =	shalt  }
0x7a: {  	_ =	shalt  }
0x7b: {  	_ =	shalt  }
0x7c: {  	_ =	shalt  }
0x7d: {  	_ =	shalt  }
0x7e: {  	_ =	shalt  }
0x7f: {  	_ =	shalt  }
0x80: {  	_ =	shalt  }
0x81: {  	_ =	shalt  }
0x82: {  	_ =	shalt  }
0x83: {  	_ =	shalt  }
0x84: {  	_ =	shalt  }
0x85: {  	_ =	shalt  }
0x86: {  	_ =	shalt  }
0x87: {  	_ =	shalt  }
.Lfunc_end0:
.L_simem_size_0:
called_computation_lowered:
.L_overlay_start_0:
0x88: {  	s2 =	sld [smem:$0x3FD9]  }
0x89: {  	s3 =	sld [smem:$0x3FFE];
	_ =	sdelay $0x1  }
0x8a: {  	s1 =	srdreg.scid  }
0x8b: {  	s0 =	sand.u32 $0x1, s1  }
0x8c: {  	s16 =	sshll.u32 s0, $0xA;
	s2 =	sadd.s32 s3, s2  }
0x8d: {  	s2 =	sadd.s32 s2, s16  }
0x8e: {  	[smem:$0x3FC0] =	sst s2  }
0x8f: {  	_ = 	snop  }
0x90: {  	(tm) =	ssettm $0x1  }
0x91: {  	s17 =	sld [smem:$0x3FFB];
	_ =	sdelay $0x3  }
0x92: {  	_ =	strace s17  }
0x93: {  	s2 =	sld [smem:$0x3FFC];
	_ =	sdelay $0x3  }
0x94: {  	_ =	strace s2  }
0x95: {  	s2 =	sld [smem:$0x3FFD];
	_ =	sdelay $0x3  }
0x96: {  	_ =	strace s2  }
0x97: {  	_ =	strace $0x8FFFFFFF  }
0x98: {  	s18 =	sld [smem:$0x3FDB];
	_ =	sdelay $0x1  }
0x99: {  	s19 =	simm.s32 $_scs_section_size  }
0x9a: {  	s4 =	simm.s32 $_size__tile_overlayer_lowered;
	s5 =	simm.s32 $_tile_overlayer_lowered  }
0x9b: {  	s22 =	simm.s32 $0x1BFF;
	s21 =	sshll.u32 s5, $0x1;
	s2 =	sadd.s32 s19, s18  }
0x9c: {  	s6 =	simm.s32 $0x0;
	s20 =	sshll.u32 s4, $0x1;
	s4 =	sadd.s32 s21, s2  }
0x9d: {  	[timem:s6], [sflag:s22] =	dma.local [hbm:s4], s20  }
0x9e: {  	_ =	swait.ge [sflag:s22], s20  }
0x9f: {  	s3 =	ssub.s32 $0x0, s20;
	[sflag:s22] =	ssyncset.done $0x0  }
0xa0: {  	[sflag:s22] =	ssyncadd.s32 s3;
	_ =	sdelay $0x1  }
0xa1: {  	s23 =	simm.s32 $0x1B8B  }
0xa2: {  	_ =	swait.ge [sflag:s23], $0x1  }
0xa3: {  	[sflag:s23] =	ssyncset.done $0x0  }
0xa4: {  	s25 =	simm.s32 $0x1B8E;
	s24 =	sld [smem:$0x3FFE];
	[sflag:s23] =	ssyncadd.s32 $0xFFFFFFFF  }
0xa5: {  	s26 =	simm.s32 $execute0_lowered;
	[smem:$0x3FD2] =	sst s25  }
0xa6: {  	s4 =	sshll.u32 s26, $0x1;
	_ =	strace $0x80000046;
	[dreg:$0x1] =	wrdreg $0xFFFFFFFF  }
0xa7: {  	s28 =	simm.s32 $_size_execute0_lowered;
	s2 =	sadd.s32 s2, s4;
	[dreg:$0x0] =	wrdreg $0x0  }
0xa8: {  	s4 =	sshll.u32 s28, $0x1;
	[dreg:$0x2] =	wrdreg s2  }
0xa9: {  	[dreg:$0x3] =	wrdreg s4  }
0xaa: {  	[dreg:$0x4] =	wrdreg $0xC0  }
0xab: {  	_ =	task [dreg:s6], $0x5FFFF  }
0xac: {  	[dreg:$0x1] =	wrdreg $0xFFFFFFFF  }
0xad: {  	[dreg:$0x0] =	wrdreg $0x60  }
0xae: {  	[dreg:$0x2] =	wrdreg s24  }
0xaf: {  	[dreg:$0x3] =	wrdreg $0x11000  }
0xb0: {  	[dreg:$0x4] =	wrdreg $0x9  }
0xb1: {  	_ =	task.clear_ibuf [dreg:s6], $0x5FFFF;
	_ =	strace $0x90000046  }
0xb2: {  	s29 =	simm.s32 $0x9;
	_ =	strace $0x80000048  }
0xb3: {  	_ =	swait.ge [sflag:s29], $0x1  }
0xb4: {  	[sflag:s29] =	ssyncadd.s32 $0xFFFFFFFF  }
0xb5: {  	_ =	strace $0x90000048  }
0xb6: {  	_ =	sfence  }
0xb7: {  	s30 =	sld [smem:$0x0];
	_ =	sdelay $0x2  }
0xb8: {  	s31 =	sshll.u32 s1, $0xD;
	s1 =	sshrl.u32 s1, $0x2  }
0xb9: {  	s3 =	sand.u32 $0x4000, s31;
	s1 =	sadd.s32 s1, s30  }
0xba: {  	s0 =	sor.u32 s3, s0;
	s1 =	sshll.u32 s1, $0x11  }
0xbb: {  	s0 =	sor.u32 s1, s0  }
0xbc: {  	s0 =	sadd.s32 $0x8F2B, s0  }
0xbd: {  	[sflag:s0] =	ssyncadd.remote.s32 $0x1  }
0xbe: {  	_ =	sfence.sel $0xFFFF  }
0xbf: {  	[dreg:$0x0] =	wrdreg $0xFFFFFFFF;
	(pc) =	sbr.abs _section_cstart, $3  }
0xc0: {  	[dreg:$0x1] =	wrdreg $0xFFFFFFFF  }
0xc1: {  	_ =	task.clear_ibuf [dreg:s6], $0x2FFFF;
	_ =	strace $0x9FFFFFFF  }
0xc2: {  	(tm) =	ssettm $0x7FFFFFFF  }
0xc3: {  	_ =	shalt  }
tec
execute0_lowered:
.L_overlay_start_1:
0x0: {  	(tag) =	ssettag $0x1  }
0x1: {  	s0 =	srdreg.scid  }
0x2: {  	s12 =	sand.u32 $0x1, s0  }
0x3: {  	s4 =	stileid.u32;
	s5 =	sshll.u32 s12, $0x4  }
0x4: {  	s3 =	sor.u32 s4, s5  }
0x5: {  	s6 =	rddreg [dreg:$0x0];
	s7 =	smul.u32 $0xD0, s3;
	s3 =	sshll.u32 s3, $0x8  }
0x6: {  	s1 =	rddreg [dreg:$0x1];
	s2 =	simm.s32 $0x0;
	s3 =	sadd.s32 s3, s6  }
0x7: {  	[smem:$0x7FF] =	sst s2;
	s7 =	sadd.s32 s7, s6;
	s3 =	sadd.s32 $0x1600, s3  }
0x8: {  	_ =	strace $0x80000047;
	s7 =	sadd.s32 $0x3600, s7;
	[dreg:$0x4] =	wrdreg s3  }
0x9: {  	[dreg:$0x3] =	wrdreg s7  }
0xa: {  	s7 =	rddreg [dreg:$0x3]  }
0xb: {  	[tilespmem:s2], [sflag:$0x1] =	stream.linear.gather [hbm4b:s7+s2], $0x680, $0x38;
	[tilespmem:$0x1128] =	vst v63  }
0xc: {  	s3 =	simm.s32 $0x680;
	s8 =	rddreg [dreg:$0x4]  }
0xd: {  	v0 =	vimm.f32 $0.0e+00;
	[tilespmem:s3], [sflag:$0x1] =	stream.linear.gather [hbm4b:s8+s2], $0x680, $0x38;
	[tilespmem:$0x1128] =	vst v63  }
0xe: {  	[tilespmem:$0x1080] =	vst v0  }
0xf: {  	[tilespmem:$0x1070] =	vst v0  }
0x10: {  	[tilespmem:$0x1060] =	vst v0  }
0x11: {  	[tilespmem:$0x1050] =	vst v0  }
0x12: {  	[tilespmem:$0x1040] =	vst v0  }
0x13: {  	[tilespmem:$0x1030] =	vst v0  }
0x14: {  	[tilespmem:$0x1020] =	vst v0  }
0x15: {  	[tilespmem:$0x1010] =	vst v0  }
0x16: {  	[tilespmem:$0x1000] =	vst v0  }
0x17: {  	[tilespmem:$0xFF0] =	vst v0  }
0x18: {  	[tilespmem:$0xFE0] =	vst v0  }
0x19: {  	[tilespmem:$0xFD0] =	vst v0  }
0x1a: {  	[tilespmem:$0xFC0] =	vst v0  }
0x1b: {  	[tilespmem:$0xFB0] =	vst v0  }
0x1c: {  	[tilespmem:$0xFA0] =	vst v0  }
0x1d: {  	[tilespmem:$0xF90] =	vst v0  }
0x1e: {  	[tilespmem:$0xF80] =	vst v0  }
0x1f: {  	[tilespmem:$0xF70] =	vst v0  }
0x20: {  	[tilespmem:$0xF60] =	vst v0  }
0x21: {  	[tilespmem:$0xF50] =	vst v0  }
0x22: {  	[tilespmem:$0xF40] =	vst v0  }
0x23: {  	[tilespmem:$0xF30] =	vst v0  }
0x24: {  	[tilespmem:$0xF20] =	vst v0  }
0x25: {  	[tilespmem:$0xF10] =	vst v0  }
0x26: {  	[tilespmem:$0xF00] =	vst v0  }
0x27: {  	[tilespmem:$0xEF0] =	vst v0  }
0x28: {  	s23 =	simm.s32 $0x700;
	[tilespmem:$0xEE0] =	vst v0  }
0x29: {  	s24 =	simm.s32 $0x780;
	[dreg:$0x6] =	wrdreg s23;
	[tilespmem:$0xED0] =	vst v0  }
0x2a: {  	s25 =	simm.s32 $0x100;
	[dreg:$0x7] =	wrdreg s24;
	[tilespmem:$0xEC0] =	vst v0  }
0x2b: {  	s26 =	simm.s32 $0x800;
	[dreg:$0x8] =	wrdreg s25;
	[tilespmem:$0xEB0] =	vst v0  }
0x2c: {  	s29 =	simm.s32 $0x180;
	[dreg:$0x9] =	wrdreg s26;
	s5 =	sadd.s32 s5, s6;
	[tilespmem:$0xEA0] =	vst v0  }
0x2d: {  	p0 =	sne.s32 s4, $0x0;
	[dreg:$0xa] =	wrdreg s29;
	s5 =	sadd.s32 $0x5000, s5;
	[tilespmem:$0xE80] =	vst v0  }
0x2e: {  	s0 =	simm.s32 @!p0 $0xE80;
	s4 =	simm.s32 @!p0 $0x2;
	[dreg:$0x5] =	wrdreg s5;
	[tilespmem:$0xE90] =	vst v0  }
0x2f: {  	[spmem:s1] =	stream.linear.scatter @!p0 [tilespmem:s0], [sflag:$0x2], $0x280, $0x38;
	[tilespmem:$0x1128] =	vst v63  }
0x30: {  	_ =	swait.ge @!p0 [sflag:s4], $0x280  }
0x31: {  	[sflag:s4] =	ssyncset.done @!p0 $0x0  }
0x32: {  	s5 =	simm.s32 $0x1;
	[sflag:s4] =	ssyncadd.s32 @!p0 $0xFFFFFD80  }
0x33: {  	_ =	swait.ge [sflag:s5], $0x680  }
0x34: {  	[sflag:s5] =	ssyncset.done $0x0  }
0x35: {  	[sflag:s5] =	ssyncadd.s32 $0xFFFFF980  }
0x36: {  	_ =	swait.ge [sflag:s5], $0x680  }
0x37: {  	[sflag:s5] =	ssyncset.done $0x0  }
0x38: {  	[sflag:s5] =	ssyncadd.s32 $0xFFFFF980  }
0x39: {  	s7 =	simm.s32 $0x80;
	[bflag:$0x0] =	sbarrier.arrive $0xFFFF  }
0x3a: {  	[spmem:s1] =	stream.indirect.scatter.add.f32 [tilespmem:s2], [sflag:$0x1], $0x1, s3, s7, $0xb8;
	[tilespmem:$0x1128] =	vst v63  }
0x3b: {  	s30 =	rddreg [dreg:$0x8]  }
0x3c: {  	s9 =	rddreg [dreg:$0x6]  }
0x3d: {  	s10 =	rddreg [dreg:$0x7]  }
0x3e: {  	[spmem:s1] =	stream.indirect.scatter.add.f32 [tilespmem:s7], [sflag:$0x1], $0x1, s9, s7, $0xb8;
	[tilespmem:$0x1128] =	vst v63  }
0x3f: {  	s11 =	rddreg [dreg:$0xa]  }
0x40: {  	[spmem:s1] =	stream.indirect.scatter.add.f32 [tilespmem:s30], [sflag:$0x1], $0x1, s10, s7, $0xb8;
	[tilespmem:$0x1128] =	vst v63  }
0x41: {  	s31 =	rddreg [dreg:$0x9]  }
0x42: {  	[spmem:s1] =	stream.indirect.scatter.add.f32 [tilespmem:s11], [sflag:$0x1], $0x1, s31, s7, $0xb8;
	[tilespmem:$0x1128] =	vst v63  }
0x43: {  	s8 =	simm.s32 $0x880;
	s9 =	simm.s32 $0x200  }
0x44: {  	[spmem:s1] =	stream.indirect.scatter.add.f32 [tilespmem:s9], [sflag:$0x1], $0x1, s8, s7, $0xb8;
	[tilespmem:$0x1128] =	vst v63  }
0x45: {  	s10 =	simm.s32 $0x900;
	s11 =	simm.s32 $0x280  }
0x46: {  	[spmem:s1] =	stream.indirect.scatter.add.f32 [tilespmem:s11], [sflag:$0x1], $0x1, s10, s7, $0xb8;
	[tilespmem:$0x1128] =	vst v63  }
0x47: {  	s13 =	simm.s32 $0x980;
	s14 =	simm.s32 $0x300  }
0x48: {  	[spmem:s1] =	stream.indirect.scatter.add.f32 [tilespmem:s14], [sflag:$0x1], $0x1, s13, s7, $0xb8;
	[tilespmem:$0x1128] =	vst v63  }
0x49: {  	s15 =	simm.s32 $0xA00;
	s16 =	simm.s32 $0x380  }
0x4a: {  	[spmem:s1] =	stream.indirect.scatter.add.f32 [tilespmem:s16], [sflag:$0x1], $0x1, s15, s7, $0xb8;
	[tilespmem:$0x1128] =	vst v63  }
0x4b: {  	s17 =	simm.s32 $0xA80;
	s18 =	simm.s32 $0x400  }
0x4c: {  	[spmem:s1] =	stream.indirect.scatter.add.f32 [tilespmem:s18], [sflag:$0x1], $0x1, s17, s7, $0xb8;
	[tilespmem:$0x1128] =	vst v63  }
0x4d: {  	s19 =	simm.s32 $0xB00;
	s20 =	simm.s32 $0x480  }
0x4e: {  	[spmem:s1] =	stream.indirect.scatter.add.f32 [tilespmem:s20], [sflag:$0x1], $0x1, s19, s7, $0xb8;
	[tilespmem:$0x1128] =	vst v63  }
0x4f: {  	s21 =	simm.s32 $0xB80;
	s22 =	simm.s32 $0x500  }
0x50: {  	[spmem:s1] =	stream.indirect.scatter.add.f32 [tilespmem:s22], [sflag:$0x1], $0x1, s21, s7, $0xb8;
	[tilespmem:$0x1128] =	vst v63  }
0x51: {  	s23 =	simm.s32 $0xC00;
	s24 =	simm.s32 $0x580  }
0x52: {  	[spmem:s1] =	stream.indirect.scatter.add.f32 [tilespmem:s24], [sflag:$0x1], $0x1, s23, s7, $0xb8;
	[tilespmem:$0x1128] =	vst v63  }
0x53: {  	s25 =	simm.s32 $0xC80;
	s26 =	simm.s32 $0x600  }
0x54: {  	[spmem:s1] =	stream.indirect.scatter.add.f32 [tilespmem:s26], [sflag:$0x1], $0x1, s25, s7, $0xb8;
	[tilespmem:$0x1128] =	vst v63  }
0x55: {  	s12 =	ssub.s32 $0x2, s12;
	_ =	swait.ge [sflag:s5], $0x80  }
0x56: {  	s28 =	sshrl.u32 s12, $0x1;
	[sflag:s5] =	ssyncset.done $0x0  }
0x57: {  	s12 =	ssub.s32 s12, s28;
	[sflag:s5] =	ssyncadd.s32 $0xFFFFFF80  }
0x58: {  	s12 =	smax.u32 s12, $0x1;
	_ =	swait.ge [sflag:s5], $0x80  }
0x59: {  	s28 =	sadd.s32 $0xFFFFFFFF, s12;
	[sflag:s5] =	ssyncset.done $0x0  }
0x5a: {  	p1 =	sne.s32 s28, $0x0;
	[sflag:s5] =	ssyncadd.s32 $0xFFFFFF80  }
.Ltmp0:
0x5b: {  	_ =	swait.ge [sflag:s5], $0x80;
	(pc) =	sbr.rel @!p1 .LBB2_2-.Ltmp0, $4  }
0x5c: {  	[sflag:s5] =	ssyncset.done $0x0  }
0x5d: {  	[sflag:s5] =	ssyncadd.s32 $0xFFFFFF80  }
0x5e: {  	_ =	swait.ge [sflag:s5], $0x80  }
0x5f: {  	s12 =	sshrl.u32 @!p0 s1, $0x3;
	[sflag:s5] =	ssyncset.done $0x0  }
.LBB2_1:
0x60: {  	[sflag:s5] =	ssyncadd.s32 $0xFFFFFF80  }
0x61: {  	_ =	swait.ge [sflag:s5], $0x80  }
0x62: {  	[sflag:s5] =	ssyncset.done $0x0  }
0x63: {  	[sflag:s5] =	ssyncadd.s32 $0xFFFFFF80  }
0x64: {  	_ =	swait.ge [sflag:s5], $0x80  }
0x65: {  	[sflag:s5] =	ssyncset.done $0x0  }
0x66: {  	[sflag:s5] =	ssyncadd.s32 $0xFFFFFF80  }
0x67: {  	_ =	swait.ge [sflag:s5], $0x80  }
0x68: {  	[sflag:s5] =	ssyncset.done $0x0  }
0x69: {  	[sflag:s5] =	ssyncadd.s32 $0xFFFFFF80  }
0x6a: {  	_ =	swait.ge [sflag:s5], $0x80  }
0x6b: {  	[sflag:s5] =	ssyncset.done $0x0  }
0x6c: {  	[sflag:s5] =	ssyncadd.s32 $0xFFFFFF80  }
0x6d: {  	_ =	swait.ge [sflag:s5], $0x80  }
0x6e: {  	[sflag:s5] =	ssyncset.done $0x0  }
0x6f: {  	[sflag:s5] =	ssyncadd.s32 $0xFFFFFF80  }
0x70: {  	_ =	swait.ge [sflag:s5], $0x80  }
0x71: {  	[sflag:s5] =	ssyncset.done $0x0  }
0x72: {  	[sflag:s5] =	ssyncadd.s32 $0xFFFFFF80  }
0x73: {  	_ =	swait.ge [sflag:s5], $0x80  }
0x74: {  	[sflag:s5] =	ssyncset.done $0x0  }
0x75: {  	[sflag:s5] =	ssyncadd.s32 $0xFFFFFF80  }
0x76: {  	_ =	swait.ge [sflag:s5], $0x80  }
0x77: {  	[sflag:s5] =	ssyncset.done $0x0  }
0x78: {  	[sflag:s5] =	ssyncadd.s32 $0xFFFFFF80  }
0x79: {  	_ =	swait.ge [sflag:s5], $0x80  }
0x7a: {  	[sflag:s5] =	ssyncset.done $0x0  }
0x7b: {  	[sflag:s5] =	ssyncadd.s32 $0xFFFFFF80  }
0x7c: {  	s29 =	simm.s32 @!p0 $0x10;
	s30 =	simm.s32 @!p0 $0x1C02;
	[bflag:$0x0] =	sbarrier.arrive $0xFFFF  }
0x7d: {  	s0 =	simm.s32 @!p0 $0x1;
	s6 =	simm.s32 @!p0 $0x20;
	s31 =	rddreg [dreg:$0x5]  }
0x7e: {  	[hbm:s31@s6], [sflag:s30] =	dma.strided @!p0 [spmem:s12@s29], $0x40, s0, $0x10   }
0x7f: {  	_ =	swait.ge @!p0 [sflag:s4], $0x40  }
0x80: {  	[sflag:s4] =	ssyncset.done @!p0 $0x0  }
0x81: {  	s30 =	rddreg [dreg:$0x3];
	[sflag:s4] =	ssyncadd.s32 @!p0 $0xFFFFFFC0  }
0x82: {  	[tilespmem:s2], [sflag:$0x1] =	stream.linear.gather [hbm4b:s30+s2], $0x680, $0x38;
	[tilespmem:$0x1128] =	vst v63  }
0x83: {  	s31 =	rddreg [dreg:$0x4]  }
0x84: {  	[tilespmem:s3], [sflag:$0x1] =	stream.linear.gather [hbm4b:s31+s2], $0x680, $0x38;
	[tilespmem:$0x1128] =	vst v63  }
0x85: {  	[tilespmem:$0x1080] =	vst v0  }
0x86: {  	[tilespmem:$0x1070] =	vst v0  }
0x87: {  	[tilespmem:$0x1060] =	vst v0  }
0x88: {  	[tilespmem:$0x1050] =	vst v0  }
0x89: {  	[tilespmem:$0x1040] =	vst v0  }
0x8a: {  	[tilespmem:$0x1030] =	vst v0  }
0x8b: {  	[tilespmem:$0x1020] =	vst v0  }
0x8c: {  	[tilespmem:$0x1010] =	vst v0  }
0x8d: {  	[tilespmem:$0x1000] =	vst v0  }
0x8e: {  	[tilespmem:$0xFF0] =	vst v0  }
0x8f: {  	[tilespmem:$0xFE0] =	vst v0  }
0x90: {  	[tilespmem:$0xFD0] =	vst v0  }
0x91: {  	[tilespmem:$0xFC0] =	vst v0  }
0x92: {  	[tilespmem:$0xFB0] =	vst v0  }
0x93: {  	[tilespmem:$0xFA0] =	vst v0  }
0x94: {  	[tilespmem:$0xF90] =	vst v0  }
0x95: {  	[tilespmem:$0xF80] =	vst v0  }
0x96: {  	[tilespmem:$0xF70] =	vst v0  }
0x97: {  	[tilespmem:$0xF60] =	vst v0  }
0x98: {  	[tilespmem:$0xF50] =	vst v0  }
0x99: {  	[tilespmem:$0xF40] =	vst v0  }
0x9a: {  	[tilespmem:$0xF30] =	vst v0  }
0x9b: {  	[tilespmem:$0xF20] =	vst v0  }
0x9c: {  	[tilespmem:$0xF10] =	vst v0  }
0x9d: {  	[tilespmem:$0xF00] =	vst v0  }
0x9e: {  	[tilespmem:$0xEF0] =	vst v0  }
0x9f: {  	[tilespmem:$0xEE0] =	vst v0  }
0xa0: {  	[tilespmem:$0xED0] =	vst v0  }
0xa1: {  	[tilespmem:$0xEC0] =	vst v0  }
0xa2: {  	[tilespmem:$0xEB0] =	vst v0  }
0xa3: {  	[tilespmem:$0xEA0] =	vst v0  }
0xa4: {  	[tilespmem:$0xE80] =	vst v0  }
0xa5: {  	s0 =	simm.s32 @!p0 $0xE80;
	[tilespmem:$0xE90] =	vst v0  }
0xa6: {  	[spmem:s1] =	stream.linear.scatter @!p0 [tilespmem:s0], [sflag:$0x2], $0x280, $0x38;
	[tilespmem:$0x1128] =	vst v63  }
0xa7: {  	_ =	swait.ge @!p0 [sflag:s4], $0x280  }
0xa8: {  	[sflag:s4] =	ssyncset.done @!p0 $0x0  }
0xa9: {  	[sflag:s4] =	ssyncadd.s32 @!p0 $0xFFFFFD80  }
0xaa: {  	_ =	swait.ge [sflag:s5], $0x680  }
0xab: {  	[sflag:s5] =	ssyncset.done $0x0  }
0xac: {  	[sflag:s5] =	ssyncadd.s32 $0xFFFFF980  }
0xad: {  	_ =	swait.ge [sflag:s5], $0x680  }
0xae: {  	[sflag:s5] =	ssyncset.done $0x0  }
0xaf: {  	[sflag:s5] =	ssyncadd.s32 $0xFFFFF980  }
0xb0: {  	[bflag:$0x0] =	sbarrier.arrive $0xFFFF  }
0xb1: {  	[spmem:s1] =	stream.indirect.scatter.add.f32 [tilespmem:s2], [sflag:$0x1], $0x1, s3, s7, $0xb8;
	[tilespmem:$0x1128] =	vst v63  }
0xb2: {  	s0 =	rddreg [dreg:$0x8]  }
0xb3: {  	s6 =	rddreg [dreg:$0x7]  }
0xb4: {  	s29 =	rddreg [dreg:$0x6]  }
0xb5: {  	[spmem:s1] =	stream.indirect.scatter.add.f32 [tilespmem:s7], [sflag:$0x1], $0x1, s29, s7, $0xb8;
	[tilespmem:$0x1128] =	vst v63  }
0xb6: {  	s30 =	rddreg [dreg:$0xa]  }
0xb7: {  	[spmem:s1] =	stream.indirect.scatter.add.f32 [tilespmem:s0], [sflag:$0x1], $0x1, s6, s7, $0xb8;
	[tilespmem:$0x1128] =	vst v63  }
0xb8: {  	s31 =	rddreg [dreg:$0x9]  }
0xb9: {  	[spmem:s1] =	stream.indirect.scatter.add.f32 [tilespmem:s30], [sflag:$0x1], $0x1, s31, s7, $0xb8;
	[tilespmem:$0x1128] =	vst v63  }
0xba: {  	_ = 	snop  }
0xbb: {  	[spmem:s1] =	stream.indirect.scatter.add.f32 [tilespmem:s9], [sflag:$0x1], $0x1, s8, s7, $0xb8;
	[tilespmem:$0x1128] =	vst v63  }
0xbc: {  	_ = 	snop  }
0xbd: {  	[spmem:s1] =	stream.indirect.scatter.add.f32 [tilespmem:s11], [sflag:$0x1], $0x1, s10, s7, $0xb8;
	[tilespmem:$0x1128] =	vst v63  }
0xbe: {  	_ = 	snop  }
0xbf: {  	[spmem:s1] =	stream.indirect.scatter.add.f32 [tilespmem:s14], [sflag:$0x1], $0x1, s13, s7, $0xb8;
	[tilespmem:$0x1128] =	vst v63  }
0xc0: {  	_ = 	snop  }
0xc1: {  	[spmem:s1] =	stream.indirect.scatter.add.f32 [tilespmem:s16], [sflag:$0x1], $0x1, s15, s7, $0xb8;
	[tilespmem:$0x1128] =	vst v63  }
0xc2: {  	_ = 	snop  }
0xc3: {  	[spmem:s1] =	stream.indirect.scatter.add.f32 [tilespmem:s18], [sflag:$0x1], $0x1, s17, s7, $0xb8;
	[tilespmem:$0x1128] =	vst v63  }
0xc4: {  	_ = 	snop  }
0xc5: {  	[spmem:s1] =	stream.indirect.scatter.add.f32 [tilespmem:s20], [sflag:$0x1], $0x1, s19, s7, $0xb8;
	[tilespmem:$0x1128] =	vst v63  }
0xc6: {  	_ = 	snop  }
0xc7: {  	[spmem:s1] =	stream.indirect.scatter.add.f32 [tilespmem:s22], [sflag:$0x1], $0x1, s21, s7, $0xb8;
	[tilespmem:$0x1128] =	vst v63  }
0xc8: {  	_ = 	snop  }
0xc9: {  	[spmem:s1] =	stream.indirect.scatter.add.f32 [tilespmem:s24], [sflag:$0x1], $0x1, s23, s7, $0xb8;
	[tilespmem:$0x1128] =	vst v63  }
0xca: {  	_ = 	snop  }
0xcb: {  	[spmem:s1] =	stream.indirect.scatter.add.f32 [tilespmem:s26], [sflag:$0x1], $0x1, s25, s7, $0xb8;
	[tilespmem:$0x1128] =	vst v63  }
0xcc: {  	_ =	swait.ge [sflag:s5], $0x80  }
0xcd: {  	[sflag:s5] =	ssyncset.done $0x0  }
0xce: {  	[sflag:s5] =	ssyncadd.s32 $0xFFFFFF80  }
0xcf: {  	_ =	swait.ge [sflag:s5], $0x80  }
0xd0: {  	s28 =	sadd.s32 $0xFFFFFFFF, s28;
	[sflag:s5] =	ssyncset.done $0x0  }
0xd1: {  	p1 =	sne.s32 s28, $0x0;
	[sflag:s5] =	ssyncadd.s32 $0xFFFFFF80  }
.Ltmp1:
0xd2: {  	_ =	swait.ge [sflag:s5], $0x80;
	(pc) =	sbr.rel @p1 .LBB2_1-.Ltmp1, $4  }
0xd3: {  	[sflag:s5] =	ssyncset.done $0x0  }
0xd4: {  	[sflag:s5] =	ssyncadd.s32 $0xFFFFFF80  }
0xd5: {  	_ =	swait.ge [sflag:s5], $0x80  }
0xd6: {  	[sflag:s5] =	ssyncset.done $0x0  }
.LBB2_2:
0xd7: {  	[sflag:s5] =	ssyncadd.s32 $0xFFFFFF80  }
0xd8: {  	_ =	swait.ge [sflag:s5], $0x80  }
0xd9: {  	[sflag:s5] =	ssyncset.done $0x0  }
0xda: {  	[sflag:s5] =	ssyncadd.s32 $0xFFFFFF80  }
0xdb: {  	_ =	swait.ge [sflag:s5], $0x80  }
0xdc: {  	[sflag:s5] =	ssyncset.done $0x0  }
0xdd: {  	[sflag:s5] =	ssyncadd.s32 $0xFFFFFF80  }
0xde: {  	_ =	swait.ge [sflag:s5], $0x80  }
0xdf: {  	[sflag:s5] =	ssyncset.done $0x0  }
0xe0: {  	[sflag:s5] =	ssyncadd.s32 $0xFFFFFF80  }
0xe1: {  	_ =	swait.ge [sflag:s5], $0x80  }
0xe2: {  	[sflag:s5] =	ssyncset.done $0x0  }
0xe3: {  	[sflag:s5] =	ssyncadd.s32 $0xFFFFFF80  }
0xe4: {  	_ =	swait.ge [sflag:s5], $0x80  }
0xe5: {  	[sflag:s5] =	ssyncset.done $0x0  }
0xe6: {  	[sflag:s5] =	ssyncadd.s32 $0xFFFFFF80  }
0xe7: {  	_ =	swait.ge [sflag:s5], $0x80  }
0xe8: {  	[sflag:s5] =	ssyncset.done $0x0  }
0xe9: {  	[sflag:s5] =	ssyncadd.s32 $0xFFFFFF80  }
0xea: {  	_ =	swait.ge [sflag:s5], $0x80  }
0xeb: {  	[sflag:s5] =	ssyncset.done $0x0  }
0xec: {  	[sflag:s5] =	ssyncadd.s32 $0xFFFFFF80  }
0xed: {  	_ =	swait.ge [sflag:s5], $0x80  }
0xee: {  	[sflag:s5] =	ssyncset.done $0x0  }
0xef: {  	[sflag:s5] =	ssyncadd.s32 $0xFFFFFF80  }
0xf0: {  	_ =	swait.ge [sflag:s5], $0x80  }
0xf1: {  	[sflag:s5] =	ssyncset.done $0x0  }
0xf2: {  	[sflag:s5] =	ssyncadd.s32 $0xFFFFFF80  }
0xf3: {  	s1 =	simm.s32 @!p0 $0x10;
	s2 =	simm.s32 @!p0 $0x1C02;
	[bflag:$0x0] =	sbarrier.arrive $0xFFFF  }
0xf4: {  	s3 =	simm.s32 @!p0 $0x1;
	s5 =	simm.s32 @!p0 $0x20;
	s0 =	rddreg [dreg:$0x5]  }
0xf5: {  	[hbm:s0@s5], [sflag:s2] =	dma.strided @!p0 [spmem:s12@s1], $0x40, s3, $0x10   }
0xf6: {  	_ =	swait.ge @!p0 [sflag:s4], $0x40  }
0xf7: {  	[sflag:s4] =	ssyncset.done @!p0 $0x0  }
0xf8: {  	[sflag:s4] =	ssyncadd.s32 @!p0 $0xFFFFFFC0  }
0xf9: {  	_ =	sfence.sel $0x180000  }
0xfa: {  	[bflag:$0x0] =	sbarrier.arrive $0xFFFF  }
0xfb: {  	_ =	strace $0x90000047  }
0xfc: {  	[bflag:$0x2] =	sbarrier.arrive $0xFFFF  }
0xfd: {  	s0 =	rddreg [dreg:$0x2]  }
0xfe: {  	s0 =	sadd.s32 @!p0 $0x100000, s0  }
0xff: {  	[sflag:s0] =	ssyncadd.tile.s32 @!p0 $0x1;
	_ =	shalt  }
.Lfunc_end2:
_tile_overlayer_lowered:
.L_overlay_start_2:
0x100: {  	(tag) =	ssettag $0x2  }
0x101: {  	s0 =	rddreg [dreg:$0x0];
	s2 =	stileid.u32  }
0x102: {  	s1 =	rddreg [dreg:$0x1];
	p0 =	sne.s32 s2, $0x0  }
0x103: {  	s3 =	rddreg [dreg:$0x2];
	[bflag:$0x3] =	sbarrier.arrive $0xFFFF;
	s2 =	simm.s32 @!p0 $0x1C02  }
0x104: {  	[timem:s3], [sflag:s2] =	dma.local @!p0 [hbm:s0], s1  }
0x105: {  	s0 =	simm.s32 @!p0 $0x2  }
0x106: {  	_ =	swait.ge @!p0 [sflag:s0], s1  }
0x107: {  	s1 =	ssub.s32 @!p0 $0x0, s1;
	[sflag:s0] =	ssyncset.done @!p0 $0x0  }
0x108: {  	[sflag:s0] =	ssyncadd.s32 @!p0 s1  }
0x109: {  	[bflag:$0x3] =	sbarrier.arrive $0xFFFF  }
0x10a: {  	_ =	shalt  }

</sc_bundles>
